<compile_context>
chip_gen: v7x
topology: tpu7x:2x2x1
jax: 0.10.2.dev20260603
libtpu: 0.0.44.dev20260713+nightly
codegen_flags: <defaults>
</compile_context>

<pallas_src>
import functools

import jax
import jax.numpy as jnp
from jax import lax
from jax.experimental import pallas as pl
from jax.experimental.pallas import tpu as pltpu
from jax.experimental.pallas import tpu_sc as plsc

N_DOW = 7
N_MONTH = 12
N_LEAP = 2
N_DECADES = 30
NJ = N_DOW * N_MONTH * N_LEAP * N_DECADES
B = 16384
DIM = 96
ED = 16
DP = 128

NC = 2
NS = 16
NW = NC * NS
BPW = B // NW


NSUB = N_MONTH * N_LEAP * N_DECADES


def _table_body(dow_emb, month_emb, leap_emb, decade_emb_t, joint_emb_t,
                W1, b1, out_ref):
    f32 = jnp.float32
    jj = lax.broadcasted_iota(jnp.int32, (NSUB, 1), 0)

    def onehot(col, n):
        return (col == lax.broadcasted_iota(jnp.int32, (NSUB, n), 1)).astype(f32)

    def dot00(a, b):
        return lax.dot_general(a, b, (((0,), (0,)), ((), ())),
                               preferred_element_type=f32)

    a_dow = jnp.dot(dow_emb[...], W1[0:ED, :], preferred_element_type=f32)
    a_mon = jnp.dot(month_emb[...], W1[ED:2 * ED, :], preferred_element_type=f32)
    a_leap = jnp.dot(leap_emb[...], W1[2 * ED:3 * ED, :], preferred_element_type=f32)
    a_dec = dot00(decade_emb_t[...], W1[3 * ED:4 * ED, :])

    sub = jnp.dot(onehot(jj // (N_LEAP * N_DECADES), N_MONTH),
                  a_mon, preferred_element_type=f32)
    sub = sub + jnp.dot(onehot((jj // N_DECADES) % N_LEAP, N_LEAP),
                        a_leap, preferred_element_type=f32)
    sub = sub + jnp.dot(onehot(jj % N_DECADES, N_DECADES),
                        a_dec, preferred_element_type=f32)
    sub = sub + b1[...]
    small = (a_dow.reshape(N_DOW, 1, DIM)
             + sub.reshape(1, NSUB, DIM)).reshape(NJ, DIM)
    acc = dot00(joint_emb_t[...], W1[4 * ED:, :])
    out_ref[:, pl.ds(0, DIM)] = acc + small


def _build_table(dow_emb, month_emb, leap_emb, decade_emb, joint_emb, W1, b1):
    return pl.pallas_call(
        _table_body,
        out_shape=jax.ShapeDtypeStruct((NJ, DP), jnp.float32),
    )(dow_emb, month_emb, leap_emb, decade_emb.T, joint_emb.T,
      W1, b1.reshape(1, DIM))


def _sc_gather_body(table_hbm, dow_hbm, month_hbm, leap_hbm, decade_hbm,
                    out_hbm, idx_v, rows_v, d_v, m_v, l_v, c_v, sem):
    wid = lax.axis_index("s") * NC + lax.axis_index("c")
    base = wid * BPW
    pltpu.sync_copy(dow_hbm.at[pl.ds(base, BPW)], d_v)
    pltpu.sync_copy(month_hbm.at[pl.ds(base, BPW)], m_v)
    pltpu.sync_copy(leap_hbm.at[pl.ds(base, BPW)], l_v)
    pltpu.sync_copy(decade_hbm.at[pl.ds(base, BPW)], c_v)
    for i in range(BPW // 16):
        sl = pl.ds(i * 16, 16)
        idx_v[sl] = ((d_v[sl] * N_MONTH + m_v[sl]) * N_LEAP
                     + l_v[sl]) * N_DECADES + c_v[sl]
    pltpu.async_copy(table_hbm.at[idx_v], rows_v, sem).wait()
    pltpu.sync_copy(rows_v, out_hbm.at[pl.ds(base, BPW)])


@functools.cache
def _sc_gather():
    return functools.partial(
        pl.kernel,
        mesh=plsc.VectorSubcoreMesh(core_axis_name="c", subcore_axis_name="s"),
        out_type=jax.ShapeDtypeStruct((B, DP), jnp.float32),
        scratch_types=[
            pltpu.VMEM((BPW,), jnp.int32),
            pltpu.VMEM((BPW, DP), jnp.float32),
            pltpu.VMEM((BPW,), jnp.int32),
            pltpu.VMEM((BPW,), jnp.int32),
            pltpu.VMEM((BPW,), jnp.int32),
            pltpu.VMEM((BPW,), jnp.int32),
            pltpu.SemaphoreType.DMA,
        ],
    )(_sc_gather_body)


def _mlp2_body(hpre, W2, b2, out_ref):
    f32 = jnp.float32
    h = jax.nn.gelu(hpre[:, pl.ds(0, DIM)])
    tmp = jnp.dot(h, W2[...], preferred_element_type=f32)
    out_ref[...] = tmp.T + b2[...]


def _mlp2(hpre_rows, W2, b2):
    return pl.pallas_call(
        _mlp2_body,
        out_shape=jax.ShapeDtypeStruct((DIM, B), jnp.float32),
        grid=(16,),
        in_specs=[
            pl.BlockSpec((B // 16, DP), lambda i: (i, 0)),
            pl.BlockSpec((DIM, DIM), lambda i: (0, 0)),
            pl.BlockSpec((DIM, 1), lambda i: (0, 0)),
        ],
        out_specs=pl.BlockSpec((DIM, B // 16), lambda i: (0, i)),
    )(hpre_rows, W2, b2.reshape(DIM, 1))


def kernel(dow, month, leap, decade, dow_emb, month_emb, leap_emb, decade_emb,
           joint_emb, W1, b1, W2, b2):
    table = _build_table(dow_emb, month_emb, leap_emb, decade_emb, joint_emb,
                         W1, b1)
    hpre_rows = _sc_gather()(table, dow, month, leap, decade)
    return _mlp2(hpre_rows, W2, b2).T

# --- scband reference (transcript-rebuilt; emitter-appended) ---
"""Pipeline reference for scband-condition-encoder-47974784696990 (READ-ONLY COPY).

The authoritative reference and input builder live on the scoring server;
editing this copy changes nothing except your own understanding.
"""

import jax, jax.numpy as jnp
import numpy as np

N_DOW = 7
N_MONTH = 12
N_LEAP = 2
N_DECADES = 30
N_JOINT = N_DOW * N_MONTH * N_LEAP * N_DECADES  # 5040
B = 16384
DIM = 96
EMBED_DIM = 16


def setup_inputs(seed: int = 0) -> dict:
    key = jax.random.key(seed)
    ks = jax.random.split(key, 16)
    dow = jax.random.randint(ks[0], (B,), 0, N_DOW, dtype=jnp.int64 if jax.config.jax_enable_x64 else jnp.int32).astype(jnp.int32)
    month = jax.random.randint(ks[1], (B,), 0, N_MONTH).astype(jnp.int32)
    leap = jax.random.randint(ks[2], (B,), 0, N_LEAP).astype(jnp.int32)
    decade = jax.random.randint(ks[3], (B,), 0, N_DECADES).astype(jnp.int32)
    dow_emb = jax.random.normal(ks[4], (N_DOW, EMBED_DIM), dtype=jnp.float32)
    month_emb = jax.random.normal(ks[5], (N_MONTH, EMBED_DIM), dtype=jnp.float32)
    leap_emb = jax.random.normal(ks[6], (N_LEAP, EMBED_DIM), dtype=jnp.float32)
    decade_emb = jax.random.normal(ks[7], (N_DECADES, EMBED_DIM), dtype=jnp.float32)
    joint_emb = jax.random.normal(ks[8], (N_JOINT, DIM), dtype=jnp.float32)
    fan_in1 = 4 * EMBED_DIM + DIM
    W1 = jax.random.normal(ks[9], (fan_in1, DIM), dtype=jnp.float32) * (1.0 / np.sqrt(fan_in1))
    b1 = jnp.zeros((DIM,), dtype=jnp.float32)
    W2 = jax.random.normal(ks[10], (DIM, DIM), dtype=jnp.float32) * (1.0 / np.sqrt(DIM))
    b2 = jnp.zeros((DIM,), dtype=jnp.float32)
    return {"dow": dow, "month": month, "leap": leap, "decade": decade,
            "dow_emb": dow_emb, "month_emb": month_emb, "leap_emb": leap_emb,
            "decade_emb": decade_emb, "joint_emb": joint_emb,
            "W1": W1, "b1": b1, "W2": W2, "b2": b2}


def joint_condition_id(dow, month, leap, decade):
    return ((dow * N_MONTH + month) * N_LEAP + leap) * N_DECADES + decade


def reference(dow, month, leap, decade, dow_emb, month_emb, leap_emb, decade_emb, joint_emb, W1, b1, W2, b2):
    joint = joint_condition_id(dow, month, leap, decade)
    e = jnp.concatenate([
        jnp.take(dow_emb, dow, axis=0),
        jnp.take(month_emb, month, axis=0),
        jnp.take(leap_emb, leap, axis=0),
        jnp.take(decade_emb, decade, axis=0),
        jnp.take(joint_emb, joint, axis=0),
    ], axis=-1)
    h = jax.nn.gelu(e @ W1 + b1)
    return h @ W2 + b2

if __name__ == "__main__":
    import jax
    _d = setup_inputs()
    print(jax.jit(kernel)(*tuple(_d.values())))

</pallas_src>

<mosaic_0001>
#map = affine_map<(d0, d1) -> (0, 0)>
#map1 = affine_map<(d0, d1) -> (0)>
module attributes {stable_mosaic.version = 14 : i64} {
  func.func @_sc_gather_body(%arg0: i32, %arg1: i32, %arg2: memref<5040x128xf32, #tpu.memory_space<hbm>>, %arg3: memref<16384xi32, #tpu.memory_space<hbm>>, %arg4: memref<16384xi32, #tpu.memory_space<hbm>>, %arg5: memref<16384xi32, #tpu.memory_space<hbm>>, %arg6: memref<16384xi32, #tpu.memory_space<hbm>>, %arg7: memref<16384x128xf32, #tpu.memory_space<hbm>>, %arg8: memref<512xi32, #tpu.memory_space<vmem>>, %arg9: memref<512x128xf32, #tpu.memory_space<vmem>>, %arg10: memref<512xi32, #tpu.memory_space<vmem>>, %arg11: memref<512xi32, #tpu.memory_space<vmem>>, %arg12: memref<512xi32, #tpu.memory_space<vmem>>, %arg13: memref<512xi32, #tpu.memory_space<vmem>>, %arg14: memref<!tpu.dma_semaphore, #tpu.memory_space<semaphore_mem>>) attributes {dimension_semantics = [#tpu.dimension_semantics<core_parallel>, #tpu.dimension_semantics<subcore_parallel>], iteration_bounds = array<i64: 2, 16>, scalar_prefetch = 0 : i64, scratch_operands = 7 : i64, tpu.core_type = #tpu.core_type<sc_vector_subcore>, window_params = [{transform_indices = #map}, {transform_indices = #map1}, {transform_indices = #map1}, {transform_indices = #map1}, {transform_indices = #map1}, {transform_indices = #map}]} {
    %mul3A = arith.constant 2 : i32
    %mul3A_0 = arith.muli %arg1, %mul3A : i32
    %add3A = arith.addi %mul3A_0, %arg0 : i32
    %mul3A_1 = arith.constant 512 : i32
    %mul3A_2 = arith.muli %add3A, %mul3A_1 : i32
    "tpu.region"() ({
      %run_scoped3A = tpu.sem_alloc : memref<!tpu.dma_semaphore, #tpu.memory_space<semaphore_mem>>
      %dma_start3A_901 = tpu.memref_slice %arg3[%mul3A_2] : memref<16384xi32, #tpu.memory_space<hbm>> -> memref<512xi32, #tpu.memory_space<hbm>>
      %dma_start3A_902 = tpu.memref_slice %arg3[%mul3A_2] : memref<16384xi32, #tpu.memory_space<hbm>> -> memref<512xi32, #tpu.memory_space<hbm>>
      tpu.enqueue_dma source(%dma_start3A_902 : memref<512xi32, #tpu.memory_space<hbm>>) target(%arg10 : memref<512xi32, #tpu.memory_space<vmem>>) target_semaphore(%run_scoped3A : memref<!tpu.dma_semaphore, #tpu.memory_space<semaphore_mem>>)
      %dma_wait3A_903 = tpu.memref_slice %arg3[%mul3A_2] : memref<16384xi32, #tpu.memory_space<hbm>> -> memref<512xi32, #tpu.memory_space<hbm>>
      %dma_wait3A_904 = tpu.memref_slice %arg3[%mul3A_2] : memref<16384xi32, #tpu.memory_space<hbm>> -> memref<512xi32, #tpu.memory_space<hbm>>
      tpu.wait_dma2 semaphore(%run_scoped3A : memref<!tpu.dma_semaphore, #tpu.memory_space<semaphore_mem>>) src(%dma_wait3A_904 : memref<512xi32, #tpu.memory_space<hbm>>) dst(%arg10 : memref<512xi32, #tpu.memory_space<vmem>>)
      tpu.yield
    }) : () -> ()
    "tpu.region"() ({
      %run_scoped3A = tpu.sem_alloc : memref<!tpu.dma_semaphore, #tpu.memory_space<semaphore_mem>>
      %dma_start3A_901 = tpu.memref_slice %arg4[%mul3A_2] : memref<16384xi32, #tpu.memory_space<hbm>> -> memref<512xi32, #tpu.memory_space<hbm>>
      %dma_start3A_902 = tpu.memref_slice %arg4[%mul3A_2] : memref<16384xi32, #tpu.memory_space<hbm>> -> memref<512xi32, #tpu.memory_space<hbm>>
      tpu.enqueue_dma source(%dma_start3A_902 : memref<512xi32, #tpu.memory_space<hbm>>) target(%arg11 : memref<512xi32, #tpu.memory_space<vmem>>) target_semaphore(%run_scoped3A : memref<!tpu.dma_semaphore, #tpu.memory_space<semaphore_mem>>)
      %dma_wait3A_903 = tpu.memref_slice %arg4[%mul3A_2] : memref<16384xi32, #tpu.memory_space<hbm>> -> memref<512xi32, #tpu.memory_space<hbm>>
      %dma_wait3A_904 = tpu.memref_slice %arg4[%mul3A_2] : memref<16384xi32, #tpu.memory_space<hbm>> -> memref<512xi32, #tpu.memory_space<hbm>>
      tpu.wait_dma2 semaphore(%run_scoped3A : memref<!tpu.dma_semaphore, #tpu.memory_space<semaphore_mem>>) src(%dma_wait3A_904 : memref<512xi32, #tpu.memory_space<hbm>>) dst(%arg11 : memref<512xi32, #tpu.memory_space<vmem>>)
      tpu.yield
    }) : () -> ()
    "tpu.region"() ({
      %run_scoped3A = tpu.sem_alloc : memref<!tpu.dma_semaphore, #tpu.memory_space<semaphore_mem>>
      %dma_start3A_901 = tpu.memref_slice %arg5[%mul3A_2] : memref<16384xi32, #tpu.memory_space<hbm>> -> memref<512xi32, #tpu.memory_space<hbm>>
      %dma_start3A_902 = tpu.memref_slice %arg5[%mul3A_2] : memref<16384xi32, #tpu.memory_space<hbm>> -> memref<512xi32, #tpu.memory_space<hbm>>
      tpu.enqueue_dma source(%dma_start3A_902 : memref<512xi32, #tpu.memory_space<hbm>>) target(%arg12 : memref<512xi32, #tpu.memory_space<vmem>>) target_semaphore(%run_scoped3A : memref<!tpu.dma_semaphore, #tpu.memory_space<semaphore_mem>>)
      %dma_wait3A_903 = tpu.memref_slice %arg5[%mul3A_2] : memref<16384xi32, #tpu.memory_space<hbm>> -> memref<512xi32, #tpu.memory_space<hbm>>
      %dma_wait3A_904 = tpu.memref_slice %arg5[%mul3A_2] : memref<16384xi32, #tpu.memory_space<hbm>> -> memref<512xi32, #tpu.memory_space<hbm>>
      tpu.wait_dma2 semaphore(%run_scoped3A : memref<!tpu.dma_semaphore, #tpu.memory_space<semaphore_mem>>) src(%dma_wait3A_904 : memref<512xi32, #tpu.memory_space<hbm>>) dst(%arg12 : memref<512xi32, #tpu.memory_space<vmem>>)
      tpu.yield
    }) : () -> ()
    "tpu.region"() ({
      %run_scoped3A = tpu.sem_alloc : memref<!tpu.dma_semaphore, #tpu.memory_space<semaphore_mem>>
      %dma_start3A_901 = tpu.memref_slice %arg6[%mul3A_2] : memref<16384xi32, #tpu.memory_space<hbm>> -> memref<512xi32, #tpu.memory_space<hbm>>
      %dma_start3A_902 = tpu.memref_slice %arg6[%mul3A_2] : memref<16384xi32, #tpu.memory_space<hbm>> -> memref<512xi32, #tpu.memory_space<hbm>>
      tpu.enqueue_dma source(%dma_start3A_902 : memref<512xi32, #tpu.memory_space<hbm>>) target(%arg13 : memref<512xi32, #tpu.memory_space<vmem>>) target_semaphore(%run_scoped3A : memref<!tpu.dma_semaphore, #tpu.memory_space<semaphore_mem>>)
      %dma_wait3A_903 = tpu.memref_slice %arg6[%mul3A_2] : memref<16384xi32, #tpu.memory_space<hbm>> -> memref<512xi32, #tpu.memory_space<hbm>>
      %dma_wait3A_904 = tpu.memref_slice %arg6[%mul3A_2] : memref<16384xi32, #tpu.memory_space<hbm>> -> memref<512xi32, #tpu.memory_space<hbm>>
      tpu.wait_dma2 semaphore(%run_scoped3A : memref<!tpu.dma_semaphore, #tpu.memory_space<semaphore_mem>>) src(%dma_wait3A_904 : memref<512xi32, #tpu.memory_space<hbm>>) dst(%arg13 : memref<512xi32, #tpu.memory_space<vmem>>)
      tpu.yield
    }) : () -> ()
    %get3A = arith.constant 0 : index
    %get3A_3 = tpu.vector_load %arg10[%get3A] {strides = array<i32>} : memref<512xi32, #tpu.memory_space<vmem>>, vector<16xi32>,
    %get3A_4 = vector.shape_cast %get3A_3 : vector<16xi32> to vector<16xi32>
    %mul3A_5 = arith.constant 12 : i32
    %mul3A_6 = vector.broadcast %mul3A_5 : i32 to vector<16xi32>
    %mul3A_7 = arith.muli %get3A_4, %mul3A_6 : vector<16xi32>
    %get3A_8 = arith.constant 0 : index
    %get3A_9 = tpu.vector_load %arg11[%get3A_8] {strides = array<i32>} : memref<512xi32, #tpu.memory_space<vmem>>, vector<16xi32>,
    %get3A_10 = vector.shape_cast %get3A_9 : vector<16xi32> to vector<16xi32>
    %add3A_11 = arith.addi %mul3A_7, %get3A_10 : vector<16xi32>
    %mul3A_12 = arith.constant 2 : i32
    %mul3A_13 = vector.broadcast %mul3A_12 : i32 to vector<16xi32>
    %mul3A_14 = arith.muli %add3A_11, %mul3A_13 : vector<16xi32>
    %get3A_15 = arith.constant 0 : index
    %get3A_16 = tpu.vector_load %arg12[%get3A_15] {strides = array<i32>} : memref<512xi32, #tpu.memory_space<vmem>>, vector<16xi32>,
    %get3A_17 = vector.shape_cast %get3A_16 : vector<16xi32> to vector<16xi32>
    %add3A_18 = arith.addi %mul3A_14, %get3A_17 : vector<16xi32>
    %mul3A_19 = arith.constant 30 : i32
    %mul3A_20 = vector.broadcast %mul3A_19 : i32 to vector<16xi32>
    %mul3A_21 = arith.muli %add3A_18, %mul3A_20 : vector<16xi32>
    %get3A_22 = arith.constant 0 : index
    %get3A_23 = tpu.vector_load %arg13[%get3A_22] {strides = array<i32>} : memref<512xi32, #tpu.memory_space<vmem>>, vector<16xi32>,
    %get3A_24 = vector.shape_cast %get3A_23 : vector<16xi32> to vector<16xi32>
    %add3A_25 = arith.addi %mul3A_21, %get3A_24 : vector<16xi32>
    %swap3A = arith.constant 0 : index
    %swap3A_26 = tpu.vector_load %arg8[%swap3A] {strides = array<i32>} : memref<512xi32, #tpu.memory_space<vmem>>, vector<16xi32>,
    %swap3A_27 = vector.shape_cast %swap3A_26 : vector<16xi32> to vector<16xi32>
    %swap3A_28 = vector.shape_cast %add3A_25 : vector<16xi32> to vector<16xi32>
    tpu.vector_store %arg8[%swap3A], %swap3A_28 {strides = array<i32>} : memref<512xi32, #tpu.memory_space<vmem>>, vector<16xi32>,
    %get3A_29 = arith.constant 16 : index
    %get3A_30 = tpu.vector_load %arg10[%get3A_29] {strides = array<i32>} : memref<512xi32, #tpu.memory_space<vmem>>, vector<16xi32>,
    %get3A_31 = vector.shape_cast %get3A_30 : vector<16xi32> to vector<16xi32>
    %mul3A_32 = arith.constant 12 : i32
    %mul3A_33 = vector.broadcast %mul3A_32 : i32 to vector<16xi32>
    %mul3A_34 = arith.muli %get3A_31, %mul3A_33 : vector<16xi32>
    %get3A_35 = arith.constant 16 : index
    %get3A_36 = tpu.vector_load %arg11[%get3A_35] {strides = array<i32>} : memref<512xi32, #tpu.memory_space<vmem>>, vector<16xi32>,
    %get3A_37 = vector.shape_cast %get3A_36 : vector<16xi32> to vector<16xi32>
    %add3A_38 = arith.addi %mul3A_34, %get3A_37 : vector<16xi32>
    %mul3A_39 = arith.constant 2 : i32
    %mul3A_40 = vector.broadcast %mul3A_39 : i32 to vector<16xi32>
    %mul3A_41 = arith.muli %add3A_38, %mul3A_40 : vector<16xi32>
    %get3A_42 = arith.constant 16 : index
    %get3A_43 = tpu.vector_load %arg12[%get3A_42] {strides = array<i32>} : memref<512xi32, #tpu.memory_space<vmem>>, vector<16xi32>,
    %get3A_44 = vector.shape_cast %get3A_43 : vector<16xi32> to vector<16xi32>
    %add3A_45 = arith.addi %mul3A_41, %get3A_44 : vector<16xi32>
    %mul3A_46 = arith.constant 30 : i32
    %mul3A_47 = vector.broadcast %mul3A_46 : i32 to vector<16xi32>
    %mul3A_48 = arith.muli %add3A_45, %mul3A_47 : vector<16xi32>
    %get3A_49 = arith.constant 16 : index
    %get3A_50 = tpu.vector_load %arg13[%get3A_49] {strides = array<i32>} : memref<512xi32, #tpu.memory_space<vmem>>, vector<16xi32>,
    %get3A_51 = vector.shape_cast %get3A_50 : vector<16xi32> to vector<16xi32>
    %add3A_52 = arith.addi %mul3A_48, %get3A_51 : vector<16xi32>
    %swap3A_53 = arith.constant 16 : index
    %swap3A_54 = tpu.vector_load %arg8[%swap3A_53] {strides = array<i32>} : memref<512xi32, #tpu.memory_space<vmem>>, vector<16xi32>,
    %swap3A_55 = vector.shape_cast %swap3A_54 : vector<16xi32> to vector<16xi32>
    %swap3A_56 = vector.shape_cast %add3A_52 : vector<16xi32> to vector<16xi32>
    tpu.vector_store %arg8[%swap3A_53], %swap3A_56 {strides = array<i32>} : memref<512xi32, #tpu.memory_space<vmem>>, vector<16xi32>,
    %get3A_57 = arith.constant 32 : index
    %get3A_58 = tpu.vector_load %arg10[%get3A_57] {strides = array<i32>} : memref<512xi32, #tpu.memory_space<vmem>>, vector<16xi32>,
    %get3A_59 = vector.shape_cast %get3A_58 : vector<16xi32> to vector<16xi32>
    %mul3A_60 = arith.constant 12 : i32
    %mul3A_61 = vector.broadcast %mul3A_60 : i32 to vector<16xi32>
    %mul3A_62 = arith.muli %get3A_59, %mul3A_61 : vector<16xi32>
    %get3A_63 = arith.constant 32 : index
    %get3A_64 = tpu.vector_load %arg11[%get3A_63] {strides = array<i32>} : memref<512xi32, #tpu.memory_space<vmem>>, vector<16xi32>,
    %get3A_65 = vector.shape_cast %get3A_64 : vector<16xi32> to vector<16xi32>
    %add3A_66 = arith.addi %mul3A_62, %get3A_65 : vector<16xi32>
    %mul3A_67 = arith.constant 2 : i32
    %mul3A_68 = vector.broadcast %mul3A_67 : i32 to vector<16xi32>
    %mul3A_69 = arith.muli %add3A_66, %mul3A_68 : vector<16xi32>
    %get3A_70 = arith.constant 32 : index
    %get3A_71 = tpu.vector_load %arg12[%get3A_70] {strides = array<i32>} : memref<512xi32, #tpu.memory_space<vmem>>, vector<16xi32>,
    %get3A_72 = vector.shape_cast %get3A_71 : vector<16xi32> to vector<16xi32>
    %add3A_73 = arith.addi %mul3A_69, %get3A_72 : vector<16xi32>
    %mul3A_74 = arith.constant 30 : i32
    %mul3A_75 = vector.broadcast %mul3A_74 : i32 to vector<16xi32>
    %mul3A_76 = arith.muli %add3A_73, %mul3A_75 : vector<16xi32>
    %get3A_77 = arith.constant 32 : index
    %get3A_78 = tpu.vector_load %arg13[%get3A_77] {strides = array<i32>} : memref<512xi32, #tpu.memory_space<vmem>>, vector<16xi32>,
    %get3A_79 = vector.shape_cast %get3A_78 : vector<16xi32> to vector<16xi32>
    %add3A_80 = arith.addi %mul3A_76, %get3A_79 : vector<16xi32>
    %swap3A_81 = arith.constant 32 : index
    %swap3A_82 = tpu.vector_load %arg8[%swap3A_81] {strides = array<i32>} : memref<512xi32, #tpu.memory_space<vmem>>, vector<16xi32>,
    %swap3A_83 = vector.shape_cast %swap3A_82 : vector<16xi32> to vector<16xi32>
    %swap3A_84 = vector.shape_cast %add3A_80 : vector<16xi32> to vector<16xi32>
    tpu.vector_store %arg8[%swap3A_81], %swap3A_84 {strides = array<i32>} : memref<512xi32, #tpu.memory_space<vmem>>, vector<16xi32>,
    %get3A_85 = arith.constant 48 : index
    %get3A_86 = tpu.vector_load %arg10[%get3A_85] {strides = array<i32>} : memref<512xi32, #tpu.memory_space<vmem>>, vector<16xi32>,
    %get3A_87 = vector.shape_cast %get3A_86 : vector<16xi32> to vector<16xi32>
    %mul3A_88 = arith.constant 12 : i32
    %mul3A_89 = vector.broadcast %mul3A_88 : i32 to vector<16xi32>
    %mul3A_90 = arith.muli %get3A_87, %mul3A_89 : vector<16xi32>
    %get3A_91 = arith.constant 48 : index
    %get3A_92 = tpu.vector_load %arg11[%get3A_91] {strides = array<i32>} : memref<512xi32, #tpu.memory_space<vmem>>, vector<16xi32>,
    %get3A_93 = vector.shape_cast %get3A_92 : vector<16xi32> to vector<16xi32>
    %add3A_94 = arith.addi %mul3A_90, %get3A_93 : vector<16xi32>
    %mul3A_95 = arith.constant 2 : i32
    %mul3A_96 = vector.broadcast %mul3A_95 : i32 to vector<16xi32>
    %mul3A_97 = arith.muli %add3A_94, %mul3A_96 : vector<16xi32>
    %get3A_98 = arith.constant 48 : index
    %get3A_99 = tpu.vector_load %arg12[%get3A_98] {strides = array<i32>} : memref<512xi32, #tpu.memory_space<vmem>>, vector<16xi32>,
    %get3A_100 = vector.shape_cast %get3A_99 : vector<16xi32> to vector<16xi32>
    %add3A_101 = arith.addi %mul3A_97, %get3A_100 : vector<16xi32>
    %mul3A_102 = arith.constant 30 : i32
    %mul3A_103 = vector.broadcast %mul3A_102 : i32 to vector<16xi32>
    %mul3A_104 = arith.muli %add3A_101, %mul3A_103 : vector<16xi32>
    %get3A_105 = arith.constant 48 : index
    %get3A_106 = tpu.vector_load %arg13[%get3A_105] {strides = array<i32>} : memref<512xi32, #tpu.memory_space<vmem>>, vector<16xi32>,
    %get3A_107 = vector.shape_cast %get3A_106 : vector<16xi32> to vector<16xi32>
    %add3A_108 = arith.addi %mul3A_104, %get3A_107 : vector<16xi32>
    %swap3A_109 = arith.constant 48 : index
    %swap3A_110 = tpu.vector_load %arg8[%swap3A_109] {strides = array<i32>} : memref<512xi32, #tpu.memory_space<vmem>>, vector<16xi32>,
    %swap3A_111 = vector.shape_cast %swap3A_110 : vector<16xi32> to vector<16xi32>
    %swap3A_112 = vector.shape_cast %add3A_108 : vector<16xi32> to vector<16xi32>
    tpu.vector_store %arg8[%swap3A_109], %swap3A_112 {strides = array<i32>} : memref<512xi32, #tpu.memory_space<vmem>>, vector<16xi32>,
    %get3A_113 = arith.constant 64 : index
    %get3A_114 = tpu.vector_load %arg10[%get3A_113] {strides = array<i32>} : memref<512xi32, #tpu.memory_space<vmem>>, vector<16xi32>,
    %get3A_115 = vector.shape_cast %get3A_114 : vector<16xi32> to vector<16xi32>
    %mul3A_116 = arith.constant 12 : i32
    %mul3A_117 = vector.broadcast %mul3A_116 : i32 to vector<16xi32>
    %mul3A_118 = arith.muli %get3A_115, %mul3A_117 : vector<16xi32>
    %get3A_119 = arith.constant 64 : index
    %get3A_120 = tpu.vector_load %arg11[%get3A_119] {strides = array<i32>} : memref<512xi32, #tpu.memory_space<vmem>>, vector<16xi32>,
    %get3A_121 = vector.shape_cast %get3A_120 : vector<16xi32> to vector<16xi32>
    %add3A_122 = arith.addi %mul3A_118, %get3A_121 : vector<16xi32>
    %mul3A_123 = arith.constant 2 : i32
    %mul3A_124 = vector.broadcast %mul3A_123 : i32 to vector<16xi32>
    %mul3A_125 = arith.muli %add3A_122, %mul3A_124 : vector<16xi32>
    %get3A_126 = arith.constant 64 : index
    %get3A_127 = tpu.vector_load %arg12[%get3A_126] {strides = array<i32>} : memref<512xi32, #tpu.memory_space<vmem>>, vector<16xi32>,
    %get3A_128 = vector.shape_cast %get3A_127 : vector<16xi32> to vector<16xi32>
    %add3A_129 = arith.addi %mul3A_125, %get3A_128 : vector<16xi32>
    %mul3A_130 = arith.constant 30 : i32
    %mul3A_131 = vector.broadcast %mul3A_130 : i32 to vector<16xi32>
    %mul3A_132 = arith.muli %add3A_129, %mul3A_131 : vector<16xi32>
    %get3A_133 = arith.constant 64 : index
    %get3A_134 = tpu.vector_load %arg13[%get3A_133] {strides = array<i32>} : memref<512xi32, #tpu.memory_space<vmem>>, vector<16xi32>,
    %get3A_135 = vector.shape_cast %get3A_134 : vector<16xi32> to vector<16xi32>
    %add3A_136 = arith.addi %mul3A_132, %get3A_135 : vector<16xi32>
    %swap3A_137 = arith.constant 64 : index
    %swap3A_138 = tpu.vector_load %arg8[%swap3A_137] {strides = array<i32>} : memref<512xi32, #tpu.memory_space<vmem>>, vector<16xi32>,
    %swap3A_139 = vector.shape_cast %swap3A_138 : vector<16xi32> to vector<16xi32>
    %swap3A_140 = vector.shape_cast %add3A_136 : vector<16xi32> to vector<16xi32>
    tpu.vector_store %arg8[%swap3A_137], %swap3A_140 {strides = array<i32>} : memref<512xi32, #tpu.memory_space<vmem>>, vector<16xi32>,
    %get3A_141 = arith.constant 80 : index
    %get3A_142 = tpu.vector_load %arg10[%get3A_141] {strides = array<i32>} : memref<512xi32, #tpu.memory_space<vmem>>, vector<16xi32>,
    %get3A_143 = vector.shape_cast %get3A_142 : vector<16xi32> to vector<16xi32>
    %mul3A_144 = arith.constant 12 : i32
    %mul3A_145 = vector.broadcast %mul3A_144 : i32 to vector<16xi32>
    %mul3A_146 = arith.muli %get3A_143, %mul3A_145 : vector<16xi32>
    %get3A_147 = arith.constant 80 : index
    %get3A_148 = tpu.vector_load %arg11[%get3A_147] {strides = array<i32>} : memref<512xi32, #tpu.memory_space<vmem>>, vector<16xi32>,
    %get3A_149 = vector.shape_cast %get3A_148 : vector<16xi32> to vector<16xi32>
    %add3A_150 = arith.addi %mul3A_146, %get3A_149 : vector<16xi32>
    %mul3A_151 = arith.constant 2 : i32
    %mul3A_152 = vector.broadcast %mul3A_151 : i32 to vector<16xi32>
    %mul3A_153 = arith.muli %add3A_150, %mul3A_152 : vector<16xi32>
    %get3A_154 = arith.constant 80 : index
    %get3A_155 = tpu.vector_load %arg12[%get3A_154] {strides = array<i32>} : memref<512xi32, #tpu.memory_space<vmem>>, vector<16xi32>,
    %get3A_156 = vector.shape_cast %get3A_155 : vector<16xi32> to vector<16xi32>
    %add3A_157 = arith.addi %mul3A_153, %get3A_156 : vector<16xi32>
    %mul3A_158 = arith.constant 30 : i32
    %mul3A_159 = vector.broadcast %mul3A_158 : i32 to vector<16xi32>
    %mul3A_160 = arith.muli %add3A_157, %mul3A_159 : vector<16xi32>
    %get3A_161 = arith.constant 80 : index
    %get3A_162 = tpu.vector_load %arg13[%get3A_161] {strides = array<i32>} : memref<512xi32, #tpu.memory_space<vmem>>, vector<16xi32>,
    %get3A_163 = vector.shape_cast %get3A_162 : vector<16xi32> to vector<16xi32>
    %add3A_164 = arith.addi %mul3A_160, %get3A_163 : vector<16xi32>
    %swap3A_165 = arith.constant 80 : index
    %swap3A_166 = tpu.vector_load %arg8[%swap3A_165] {strides = array<i32>} : memref<512xi32, #tpu.memory_space<vmem>>, vector<16xi32>,
    %swap3A_167 = vector.shape_cast %swap3A_166 : vector<16xi32> to vector<16xi32>
    %swap3A_168 = vector.shape_cast %add3A_164 : vector<16xi32> to vector<16xi32>
    tpu.vector_store %arg8[%swap3A_165], %swap3A_168 {strides = array<i32>} : memref<512xi32, #tpu.memory_space<vmem>>, vector<16xi32>,
    %get3A_169 = arith.constant 96 : index
    %get3A_170 = tpu.vector_load %arg10[%get3A_169] {strides = array<i32>} : memref<512xi32, #tpu.memory_space<vmem>>, vector<16xi32>,
    %get3A_171 = vector.shape_cast %get3A_170 : vector<16xi32> to vector<16xi32>
    %mul3A_172 = arith.constant 12 : i32
    %mul3A_173 = vector.broadcast %mul3A_172 : i32 to vector<16xi32>
    %mul3A_174 = arith.muli %get3A_171, %mul3A_173 : vector<16xi32>
    %get3A_175 = arith.constant 96 : index
    %get3A_176 = tpu.vector_load %arg11[%get3A_175] {strides = array<i32>} : memref<512xi32, #tpu.memory_space<vmem>>, vector<16xi32>,
    %get3A_177 = vector.shape_cast %get3A_176 : vector<16xi32> to vector<16xi32>
    %add3A_178 = arith.addi %mul3A_174, %get3A_177 : vector<16xi32>
    %mul3A_179 = arith.constant 2 : i32
    %mul3A_180 = vector.broadcast %mul3A_179 : i32 to vector<16xi32>
    %mul3A_181 = arith.muli %add3A_178, %mul3A_180 : vector<16xi32>
    %get3A_182 = arith.constant 96 : index
    %get3A_183 = tpu.vector_load %arg12[%get3A_182] {strides = array<i32>} : memref<512xi32, #tpu.memory_space<vmem>>, vector<16xi32>,
    %get3A_184 = vector.shape_cast %get3A_183 : vector<16xi32> to vector<16xi32>
    %add3A_185 = arith.addi %mul3A_181, %get3A_184 : vector<16xi32>
    %mul3A_186 = arith.constant 30 : i32
    %mul3A_187 = vector.broadcast %mul3A_186 : i32 to vector<16xi32>
    %mul3A_188 = arith.muli %add3A_185, %mul3A_187 : vector<16xi32>
    %get3A_189 = arith.constant 96 : index
    %get3A_190 = tpu.vector_load %arg13[%get3A_189] {strides = array<i32>} : memref<512xi32, #tpu.memory_space<vmem>>, vector<16xi32>,
    %get3A_191 = vector.shape_cast %get3A_190 : vector<16xi32> to vector<16xi32>
    %add3A_192 = arith.addi %mul3A_188, %get3A_191 : vector<16xi32>
    %swap3A_193 = arith.constant 96 : index
    %swap3A_194 = tpu.vector_load %arg8[%swap3A_193] {strides = array<i32>} : memref<512xi32, #tpu.memory_space<vmem>>, vector<16xi32>,
    %swap3A_195 = vector.shape_cast %swap3A_194 : vector<16xi32> to vector<16xi32>
    %swap3A_196 = vector.shape_cast %add3A_192 : vector<16xi32> to vector<16xi32>
    tpu.vector_store %arg8[%swap3A_193], %swap3A_196 {strides = array<i32>} : memref<512xi32, #tpu.memory_space<vmem>>, vector<16xi32>,
    %get3A_197 = arith.constant 112 : index
    %get3A_198 = tpu.vector_load %arg10[%get3A_197] {strides = array<i32>} : memref<512xi32, #tpu.memory_space<vmem>>, vector<16xi32>,
    %get3A_199 = vector.shape_cast %get3A_198 : vector<16xi32> to vector<16xi32>
    %mul3A_200 = arith.constant 12 : i32
    %mul3A_201 = vector.broadcast %mul3A_200 : i32 to vector<16xi32>
    %mul3A_202 = arith.muli %get3A_199, %mul3A_201 : vector<16xi32>
    %get3A_203 = arith.constant 112 : index
    %get3A_204 = tpu.vector_load %arg11[%get3A_203] {strides = array<i32>} : memref<512xi32, #tpu.memory_space<vmem>>, vector<16xi32>,
    %get3A_205 = vector.shape_cast %get3A_204 : vector<16xi32> to vector<16xi32>
    %add3A_206 = arith.addi %mul3A_202, %get3A_205 : vector<16xi32>
    %mul3A_207 = arith.constant 2 : i32
    %mul3A_208 = vector.broadcast %mul3A_207 : i32 to vector<16xi32>
    %mul3A_209 = arith.muli %add3A_206, %mul3A_208 : vector<16xi32>
    %get3A_210 = arith.constant 112 : index
    %get3A_211 = tpu.vector_load %arg12[%get3A_210] {strides = array<i32>} : memref<512xi32, #tpu.memory_space<vmem>>, vector<16xi32>,
    %get3A_212 = vector.shape_cast %get3A_211 : vector<16xi32> to vector<16xi32>
    %add3A_213 = arith.addi %mul3A_209, %get3A_212 : vector<16xi32>
    %mul3A_214 = arith.constant 30 : i32
    %mul3A_215 = vector.broadcast %mul3A_214 : i32 to vector<16xi32>
    %mul3A_216 = arith.muli %add3A_213, %mul3A_215 : vector<16xi32>
    %get3A_217 = arith.constant 112 : index
    %get3A_218 = tpu.vector_load %arg13[%get3A_217] {strides = array<i32>} : memref<512xi32, #tpu.memory_space<vmem>>, vector<16xi32>,
    %get3A_219 = vector.shape_cast %get3A_218 : vector<16xi32> to vector<16xi32>
    %add3A_220 = arith.addi %mul3A_216, %get3A_219 : vector<16xi32>
    %swap3A_221 = arith.constant 112 : index
    %swap3A_222 = tpu.vector_load %arg8[%swap3A_221] {strides = array<i32>} : memref<512xi32, #tpu.memory_space<vmem>>, vector<16xi32>,
    %swap3A_223 = vector.shape_cast %swap3A_222 : vector<16xi32> to vector<16xi32>
    %swap3A_224 = vector.shape_cast %add3A_220 : vector<16xi32> to vector<16xi32>
    tpu.vector_store %arg8[%swap3A_221], %swap3A_224 {strides = array<i32>} : memref<512xi32, #tpu.memory_space<vmem>>, vector<16xi32>,
    %get3A_225 = arith.constant 128 : index
    %get3A_226 = tpu.vector_load %arg10[%get3A_225] {strides = array<i32>} : memref<512xi32, #tpu.memory_space<vmem>>, vector<16xi32>,
    %get3A_227 = vector.shape_cast %get3A_226 : vector<16xi32> to vector<16xi32>
    %mul3A_228 = arith.constant 12 : i32
    %mul3A_229 = vector.broadcast %mul3A_228 : i32 to vector<16xi32>
    %mul3A_230 = arith.muli %get3A_227, %mul3A_229 : vector<16xi32>
    %get3A_231 = arith.constant 128 : index
    %get3A_232 = tpu.vector_load %arg11[%get3A_231] {strides = array<i32>} : memref<512xi32, #tpu.memory_space<vmem>>, vector<16xi32>,
    %get3A_233 = vector.shape_cast %get3A_232 : vector<16xi32> to vector<16xi32>
    %add3A_234 = arith.addi %mul3A_230, %get3A_233 : vector<16xi32>
    %mul3A_235 = arith.constant 2 : i32
    %mul3A_236 = vector.broadcast %mul3A_235 : i32 to vector<16xi32>
    %mul3A_237 = arith.muli %add3A_234, %mul3A_236 : vector<16xi32>
    %get3A_238 = arith.constant 128 : index
    %get3A_239 = tpu.vector_load %arg12[%get3A_238] {strides = array<i32>} : memref<512xi32, #tpu.memory_space<vmem>>, vector<16xi32>,
    %get3A_240 = vector.shape_cast %get3A_239 : vector<16xi32> to vector<16xi32>
    %add3A_241 = arith.addi %mul3A_237, %get3A_240 : vector<16xi32>
    %mul3A_242 = arith.constant 30 : i32
    %mul3A_243 = vector.broadcast %mul3A_242 : i32 to vector<16xi32>
    %mul3A_244 = arith.muli %add3A_241, %mul3A_243 : vector<16xi32>
    %get3A_245 = arith.constant 128 : index
    %get3A_246 = tpu.vector_load %arg13[%get3A_245] {strides = array<i32>} : memref<512xi32, #tpu.memory_space<vmem>>, vector<16xi32>,
    %get3A_247 = vector.shape_cast %get3A_246 : vector<16xi32> to vector<16xi32>
    %add3A_248 = arith.addi %mul3A_244, %get3A_247 : vector<16xi32>
    %swap3A_249 = arith.constant 128 : index
    %swap3A_250 = tpu.vector_load %arg8[%swap3A_249] {strides = array<i32>} : memref<512xi32, #tpu.memory_space<vmem>>, vector<16xi32>,
    %swap3A_251 = vector.shape_cast %swap3A_250 : vector<16xi32> to vector<16xi32>
    %swap3A_252 = vector.shape_cast %add3A_248 : vector<16xi32> to vector<16xi32>
    tpu.vector_store %arg8[%swap3A_249], %swap3A_252 {strides = array<i32>} : memref<512xi32, #tpu.memory_space<vmem>>, vector<16xi32>,
    %get3A_253 = arith.constant 144 : index
    %get3A_254 = tpu.vector_load %arg10[%get3A_253] {strides = array<i32>} : memref<512xi32, #tpu.memory_space<vmem>>, vector<16xi32>,
    %get3A_255 = vector.shape_cast %get3A_254 : vector<16xi32> to vector<16xi32>
    %mul3A_256 = arith.constant 12 : i32
    %mul3A_257 = vector.broadcast %mul3A_256 : i32 to vector<16xi32>
    %mul3A_258 = arith.muli %get3A_255, %mul3A_257 : vector<16xi32>
    %get3A_259 = arith.constant 144 : index
    %get3A_260 = tpu.vector_load %arg11[%get3A_259] {strides = array<i32>} : memref<512xi32, #tpu.memory_space<vmem>>, vector<16xi32>,
    %get3A_261 = vector.shape_cast %get3A_260 : vector<16xi32> to vector<16xi32>
    %add3A_262 = arith.addi %mul3A_258, %get3A_261 : vector<16xi32>
    %mul3A_263 = arith.constant 2 : i32
    %mul3A_264 = vector.broadcast %mul3A_263 : i32 to vector<16xi32>
    %mul3A_265 = arith.muli %add3A_262, %mul3A_264 : vector<16xi32>
    %get3A_266 = arith.constant 144 : index
    %get3A_267 = tpu.vector_load %arg12[%get3A_266] {strides = array<i32>} : memref<512xi32, #tpu.memory_space<vmem>>, vector<16xi32>,
    %get3A_268 = vector.shape_cast %get3A_267 : vector<16xi32> to vector<16xi32>
    %add3A_269 = arith.addi %mul3A_265, %get3A_268 : vector<16xi32>
    %mul3A_270 = arith.constant 30 : i32
    %mul3A_271 = vector.broadcast %mul3A_270 : i32 to vector<16xi32>
    %mul3A_272 = arith.muli %add3A_269, %mul3A_271 : vector<16xi32>
    %get3A_273 = arith.constant 144 : index
    %get3A_274 = tpu.vector_load %arg13[%get3A_273] {strides = array<i32>} : memref<512xi32, #tpu.memory_space<vmem>>, vector<16xi32>,
    %get3A_275 = vector.shape_cast %get3A_274 : vector<16xi32> to vector<16xi32>
    %add3A_276 = arith.addi %mul3A_272, %get3A_275 : vector<16xi32>
    %swap3A_277 = arith.constant 144 : index
    %swap3A_278 = tpu.vector_load %arg8[%swap3A_277] {strides = array<i32>} : memref<512xi32, #tpu.memory_space<vmem>>, vector<16xi32>,
    %swap3A_279 = vector.shape_cast %swap3A_278 : vector<16xi32> to vector<16xi32>
    %swap3A_280 = vector.shape_cast %add3A_276 : vector<16xi32> to vector<16xi32>
    tpu.vector_store %arg8[%swap3A_277], %swap3A_280 {strides = array<i32>} : memref<512xi32, #tpu.memory_space<vmem>>, vector<16xi32>,
    %get3A_281 = arith.constant 160 : index
    %get3A_282 = tpu.vector_load %arg10[%get3A_281] {strides = array<i32>} : memref<512xi32, #tpu.memory_space<vmem>>, vector<16xi32>,
    %get3A_283 = vector.shape_cast %get3A_282 : vector<16xi32> to vector<16xi32>
    %mul3A_284 = arith.constant 12 : i32
    %mul3A_285 = vector.broadcast %mul3A_284 : i32 to vector<16xi32>
    %mul3A_286 = arith.muli %get3A_283, %mul3A_285 : vector<16xi32>
    %get3A_287 = arith.constant 160 : index
    %get3A_288 = tpu.vector_load %arg11[%get3A_287] {strides = array<i32>} : memref<512xi32, #tpu.memory_space<vmem>>, vector<16xi32>,
    %get3A_289 = vector.shape_cast %get3A_288 : vector<16xi32> to vector<16xi32>
    %add3A_290 = arith.addi %mul3A_286, %get3A_289 : vector<16xi32>
    %mul3A_291 = arith.constant 2 : i32
    %mul3A_292 = vector.broadcast %mul3A_291 : i32 to vector<16xi32>
    %mul3A_293 = arith.muli %add3A_290, %mul3A_292 : vector<16xi32>
    %get3A_294 = arith.constant 160 : index
    %get3A_295 = tpu.vector_load %arg12[%get3A_294] {strides = array<i32>} : memref<512xi32, #tpu.memory_space<vmem>>, vector<16xi32>,
    %get3A_296 = vector.shape_cast %get3A_295 : vector<16xi32> to vector<16xi32>
    %add3A_297 = arith.addi %mul3A_293, %get3A_296 : vector<16xi32>
    %mul3A_298 = arith.constant 30 : i32
    %mul3A_299 = vector.broadcast %mul3A_298 : i32 to vector<16xi32>
    %mul3A_300 = arith.muli %add3A_297, %mul3A_299 : vector<16xi32>
    %get3A_301 = arith.constant 160 : index
    %get3A_302 = tpu.vector_load %arg13[%get3A_301] {strides = array<i32>} : memref<512xi32, #tpu.memory_space<vmem>>, vector<16xi32>,
    %get3A_303 = vector.shape_cast %get3A_302 : vector<16xi32> to vector<16xi32>
    %add3A_304 = arith.addi %mul3A_300, %get3A_303 : vector<16xi32>
    %swap3A_305 = arith.constant 160 : index
    %swap3A_306 = tpu.vector_load %arg8[%swap3A_305] {strides = array<i32>} : memref<512xi32, #tpu.memory_space<vmem>>, vector<16xi32>,
    %swap3A_307 = vector.shape_cast %swap3A_306 : vector<16xi32> to vector<16xi32>
    %swap3A_308 = vector.shape_cast %add3A_304 : vector<16xi32> to vector<16xi32>
    tpu.vector_store %arg8[%swap3A_305], %swap3A_308 {strides = array<i32>} : memref<512xi32, #tpu.memory_space<vmem>>, vector<16xi32>,
    %get3A_309 = arith.constant 176 : index
    %get3A_310 = tpu.vector_load %arg10[%get3A_309] {strides = array<i32>} : memref<512xi32, #tpu.memory_space<vmem>>, vector<16xi32>,
    %get3A_311 = vector.shape_cast %get3A_310 : vector<16xi32> to vector<16xi32>
    %mul3A_312 = arith.constant 12 : i32
    %mul3A_313 = vector.broadcast %mul3A_312 : i32 to vector<16xi32>
    %mul3A_314 = arith.muli %get3A_311, %mul3A_313 : vector<16xi32>
    %get3A_315 = arith.constant 176 : index
    %get3A_316 = tpu.vector_load %arg11[%get3A_315] {strides = array<i32>} : memref<512xi32, #tpu.memory_space<vmem>>, vector<16xi32>,
    %get3A_317 = vector.shape_cast %get3A_316 : vector<16xi32> to vector<16xi32>
    %add3A_318 = arith.addi %mul3A_314, %get3A_317 : vector<16xi32>
    %mul3A_319 = arith.constant 2 : i32
    %mul3A_320 = vector.broadcast %mul3A_319 : i32 to vector<16xi32>
    %mul3A_321 = arith.muli %add3A_318, %mul3A_320 : vector<16xi32>
    %get3A_322 = arith.constant 176 : index
    %get3A_323 = tpu.vector_load %arg12[%get3A_322] {strides = array<i32>} : memref<512xi32, #tpu.memory_space<vmem>>, vector<16xi32>,
    %get3A_324 = vector.shape_cast %get3A_323 : vector<16xi32> to vector<16xi32>
    %add3A_325 = arith.addi %mul3A_321, %get3A_324 : vector<16xi32>
    %mul3A_326 = arith.constant 30 : i32
    %mul3A_327 = vector.broadcast %mul3A_326 : i32 to vector<16xi32>
    %mul3A_328 = arith.muli %add3A_325, %mul3A_327 : vector<16xi32>
    %get3A_329 = arith.constant 176 : index
    %get3A_330 = tpu.vector_load %arg13[%get3A_329] {strides = array<i32>} : memref<512xi32, #tpu.memory_space<vmem>>, vector<16xi32>,
    %get3A_331 = vector.shape_cast %get3A_330 : vector<16xi32> to vector<16xi32>
    %add3A_332 = arith.addi %mul3A_328, %get3A_331 : vector<16xi32>
    %swap3A_333 = arith.constant 176 : index
    %swap3A_334 = tpu.vector_load %arg8[%swap3A_333] {strides = array<i32>} : memref<512xi32, #tpu.memory_space<vmem>>, vector<16xi32>,
    %swap3A_335 = vector.shape_cast %swap3A_334 : vector<16xi32> to vector<16xi32>
    %swap3A_336 = vector.shape_cast %add3A_332 : vector<16xi32> to vector<16xi32>
    tpu.vector_store %arg8[%swap3A_333], %swap3A_336 {strides = array<i32>} : memref<512xi32, #tpu.memory_space<vmem>>, vector<16xi32>,
    %get3A_337 = arith.constant 192 : index
    %get3A_338 = tpu.vector_load %arg10[%get3A_337] {strides = array<i32>} : memref<512xi32, #tpu.memory_space<vmem>>, vector<16xi32>,
    %get3A_339 = vector.shape_cast %get3A_338 : vector<16xi32> to vector<16xi32>
    %mul3A_340 = arith.constant 12 : i32
    %mul3A_341 = vector.broadcast %mul3A_340 : i32 to vector<16xi32>
    %mul3A_342 = arith.muli %get3A_339, %mul3A_341 : vector<16xi32>
    %get3A_343 = arith.constant 192 : index
    %get3A_344 = tpu.vector_load %arg11[%get3A_343] {strides = array<i32>} : memref<512xi32, #tpu.memory_space<vmem>>, vector<16xi32>,
    %get3A_345 = vector.shape_cast %get3A_344 : vector<16xi32> to vector<16xi32>
    %add3A_346 = arith.addi %mul3A_342, %get3A_345 : vector<16xi32>
    %mul3A_347 = arith.constant 2 : i32
    %mul3A_348 = vector.broadcast %mul3A_347 : i32 to vector<16xi32>
    %mul3A_349 = arith.muli %add3A_346, %mul3A_348 : vector<16xi32>
    %get3A_350 = arith.constant 192 : index
    %get3A_351 = tpu.vector_load %arg12[%get3A_350] {strides = array<i32>} : memref<512xi32, #tpu.memory_space<vmem>>, vector<16xi32>,
    %get3A_352 = vector.shape_cast %get3A_351 : vector<16xi32> to vector<16xi32>
    %add3A_353 = arith.addi %mul3A_349, %get3A_352 : vector<16xi32>
    %mul3A_354 = arith.constant 30 : i32
    %mul3A_355 = vector.broadcast %mul3A_354 : i32 to vector<16xi32>
    %mul3A_356 = arith.muli %add3A_353, %mul3A_355 : vector<16xi32>
    %get3A_357 = arith.constant 192 : index
    %get3A_358 = tpu.vector_load %arg13[%get3A_357] {strides = array<i32>} : memref<512xi32, #tpu.memory_space<vmem>>, vector<16xi32>,
    %get3A_359 = vector.shape_cast %get3A_358 : vector<16xi32> to vector<16xi32>
    %add3A_360 = arith.addi %mul3A_356, %get3A_359 : vector<16xi32>
    %swap3A_361 = arith.constant 192 : index
    %swap3A_362 = tpu.vector_load %arg8[%swap3A_361] {strides = array<i32>} : memref<512xi32, #tpu.memory_space<vmem>>, vector<16xi32>,
    %swap3A_363 = vector.shape_cast %swap3A_362 : vector<16xi32> to vector<16xi32>
    %swap3A_364 = vector.shape_cast %add3A_360 : vector<16xi32> to vector<16xi32>
    tpu.vector_store %arg8[%swap3A_361], %swap3A_364 {strides = array<i32>} : memref<512xi32, #tpu.memory_space<vmem>>, vector<16xi32>,
    %get3A_365 = arith.constant 208 : index
    %get3A_366 = tpu.vector_load %arg10[%get3A_365] {strides = array<i32>} : memref<512xi32, #tpu.memory_space<vmem>>, vector<16xi32>,
    %get3A_367 = vector.shape_cast %get3A_366 : vector<16xi32> to vector<16xi32>
    %mul3A_368 = arith.constant 12 : i32
    %mul3A_369 = vector.broadcast %mul3A_368 : i32 to vector<16xi32>
    %mul3A_370 = arith.muli %get3A_367, %mul3A_369 : vector<16xi32>
    %get3A_371 = arith.constant 208 : index
    %get3A_372 = tpu.vector_load %arg11[%get3A_371] {strides = array<i32>} : memref<512xi32, #tpu.memory_space<vmem>>, vector<16xi32>,
    %get3A_373 = vector.shape_cast %get3A_372 : vector<16xi32> to vector<16xi32>
    %add3A_374 = arith.addi %mul3A_370, %get3A_373 : vector<16xi32>
    %mul3A_375 = arith.constant 2 : i32
    %mul3A_376 = vector.broadcast %mul3A_375 : i32 to vector<16xi32>
    %mul3A_377 = arith.muli %add3A_374, %mul3A_376 : vector<16xi32>
    %get3A_378 = arith.constant 208 : index
    %get3A_379 = tpu.vector_load %arg12[%get3A_378] {strides = array<i32>} : memref<512xi32, #tpu.memory_space<vmem>>, vector<16xi32>,
    %get3A_380 = vector.shape_cast %get3A_379 : vector<16xi32> to vector<16xi32>
    %add3A_381 = arith.addi %mul3A_377, %get3A_380 : vector<16xi32>
    %mul3A_382 = arith.constant 30 : i32
    %mul3A_383 = vector.broadcast %mul3A_382 : i32 to vector<16xi32>
    %mul3A_384 = arith.muli %add3A_381, %mul3A_383 : vector<16xi32>
    %get3A_385 = arith.constant 208 : index
    %get3A_386 = tpu.vector_load %arg13[%get3A_385] {strides = array<i32>} : memref<512xi32, #tpu.memory_space<vmem>>, vector<16xi32>,
    %get3A_387 = vector.shape_cast %get3A_386 : vector<16xi32> to vector<16xi32>
    %add3A_388 = arith.addi %mul3A_384, %get3A_387 : vector<16xi32>
    %swap3A_389 = arith.constant 208 : index
    %swap3A_390 = tpu.vector_load %arg8[%swap3A_389] {strides = array<i32>} : memref<512xi32, #tpu.memory_space<vmem>>, vector<16xi32>,
    %swap3A_391 = vector.shape_cast %swap3A_390 : vector<16xi32> to vector<16xi32>
    %swap3A_392 = vector.shape_cast %add3A_388 : vector<16xi32> to vector<16xi32>
    tpu.vector_store %arg8[%swap3A_389], %swap3A_392 {strides = array<i32>} : memref<512xi32, #tpu.memory_space<vmem>>, vector<16xi32>,
    %get3A_393 = arith.constant 224 : index
    %get3A_394 = tpu.vector_load %arg10[%get3A_393] {strides = array<i32>} : memref<512xi32, #tpu.memory_space<vmem>>, vector<16xi32>,
    %get3A_395 = vector.shape_cast %get3A_394 : vector<16xi32> to vector<16xi32>
    %mul3A_396 = arith.constant 12 : i32
    %mul3A_397 = vector.broadcast %mul3A_396 : i32 to vector<16xi32>
    %mul3A_398 = arith.muli %get3A_395, %mul3A_397 : vector<16xi32>
    %get3A_399 = arith.constant 224 : index
    %get3A_400 = tpu.vector_load %arg11[%get3A_399] {strides = array<i32>} : memref<512xi32, #tpu.memory_space<vmem>>, vector<16xi32>,
    %get3A_401 = vector.shape_cast %get3A_400 : vector<16xi32> to vector<16xi32>
    %add3A_402 = arith.addi %mul3A_398, %get3A_401 : vector<16xi32>
    %mul3A_403 = arith.constant 2 : i32
    %mul3A_404 = vector.broadcast %mul3A_403 : i32 to vector<16xi32>
    %mul3A_405 = arith.muli %add3A_402, %mul3A_404 : vector<16xi32>
    %get3A_406 = arith.constant 224 : index
    %get3A_407 = tpu.vector_load %arg12[%get3A_406] {strides = array<i32>} : memref<512xi32, #tpu.memory_space<vmem>>, vector<16xi32>,
    %get3A_408 = vector.shape_cast %get3A_407 : vector<16xi32> to vector<16xi32>
    %add3A_409 = arith.addi %mul3A_405, %get3A_408 : vector<16xi32>
    %mul3A_410 = arith.constant 30 : i32
    %mul3A_411 = vector.broadcast %mul3A_410 : i32 to vector<16xi32>
    %mul3A_412 = arith.muli %add3A_409, %mul3A_411 : vector<16xi32>
    %get3A_413 = arith.constant 224 : index
    %get3A_414 = tpu.vector_load %arg13[%get3A_413] {strides = array<i32>} : memref<512xi32, #tpu.memory_space<vmem>>, vector<16xi32>,
    %get3A_415 = vector.shape_cast %get3A_414 : vector<16xi32> to vector<16xi32>
    %add3A_416 = arith.addi %mul3A_412, %get3A_415 : vector<16xi32>
    %swap3A_417 = arith.constant 224 : index
    %swap3A_418 = tpu.vector_load %arg8[%swap3A_417] {strides = array<i32>} : memref<512xi32, #tpu.memory_space<vmem>>, vector<16xi32>,
    %swap3A_419 = vector.shape_cast %swap3A_418 : vector<16xi32> to vector<16xi32>
    %swap3A_420 = vector.shape_cast %add3A_416 : vector<16xi32> to vector<16xi32>
    tpu.vector_store %arg8[%swap3A_417], %swap3A_420 {strides = array<i32>} : memref<512xi32, #tpu.memory_space<vmem>>, vector<16xi32>,
    %get3A_421 = arith.constant 240 : index
    %get3A_422 = tpu.vector_load %arg10[%get3A_421] {strides = array<i32>} : memref<512xi32, #tpu.memory_space<vmem>>, vector<16xi32>,
    %get3A_423 = vector.shape_cast %get3A_422 : vector<16xi32> to vector<16xi32>
    %mul3A_424 = arith.constant 12 : i32
    %mul3A_425 = vector.broadcast %mul3A_424 : i32 to vector<16xi32>
    %mul3A_426 = arith.muli %get3A_423, %mul3A_425 : vector<16xi32>
    %get3A_427 = arith.constant 240 : index
    %get3A_428 = tpu.vector_load %arg11[%get3A_427] {strides = array<i32>} : memref<512xi32, #tpu.memory_space<vmem>>, vector<16xi32>,
    %get3A_429 = vector.shape_cast %get3A_428 : vector<16xi32> to vector<16xi32>
    %add3A_430 = arith.addi %mul3A_426, %get3A_429 : vector<16xi32>
    %mul3A_431 = arith.constant 2 : i32
    %mul3A_432 = vector.broadcast %mul3A_431 : i32 to vector<16xi32>
    %mul3A_433 = arith.muli %add3A_430, %mul3A_432 : vector<16xi32>
    %get3A_434 = arith.constant 240 : index
    %get3A_435 = tpu.vector_load %arg12[%get3A_434] {strides = array<i32>} : memref<512xi32, #tpu.memory_space<vmem>>, vector<16xi32>,
    %get3A_436 = vector.shape_cast %get3A_435 : vector<16xi32> to vector<16xi32>
    %add3A_437 = arith.addi %mul3A_433, %get3A_436 : vector<16xi32>
    %mul3A_438 = arith.constant 30 : i32
    %mul3A_439 = vector.broadcast %mul3A_438 : i32 to vector<16xi32>
    %mul3A_440 = arith.muli %add3A_437, %mul3A_439 : vector<16xi32>
    %get3A_441 = arith.constant 240 : index
    %get3A_442 = tpu.vector_load %arg13[%get3A_441] {strides = array<i32>} : memref<512xi32, #tpu.memory_space<vmem>>, vector<16xi32>,
    %get3A_443 = vector.shape_cast %get3A_442 : vector<16xi32> to vector<16xi32>
    %add3A_444 = arith.addi %mul3A_440, %get3A_443 : vector<16xi32>
    %swap3A_445 = arith.constant 240 : index
    %swap3A_446 = tpu.vector_load %arg8[%swap3A_445] {strides = array<i32>} : memref<512xi32, #tpu.memory_space<vmem>>, vector<16xi32>,
    %swap3A_447 = vector.shape_cast %swap3A_446 : vector<16xi32> to vector<16xi32>
    %swap3A_448 = vector.shape_cast %add3A_444 : vector<16xi32> to vector<16xi32>
    tpu.vector_store %arg8[%swap3A_445], %swap3A_448 {strides = array<i32>} : memref<512xi32, #tpu.memory_space<vmem>>, vector<16xi32>,
    %get3A_449 = arith.constant 256 : index
    %get3A_450 = tpu.vector_load %arg10[%get3A_449] {strides = array<i32>} : memref<512xi32, #tpu.memory_space<vmem>>, vector<16xi32>,
    %get3A_451 = vector.shape_cast %get3A_450 : vector<16xi32> to vector<16xi32>
    %mul3A_452 = arith.constant 12 : i32
    %mul3A_453 = vector.broadcast %mul3A_452 : i32 to vector<16xi32>
    %mul3A_454 = arith.muli %get3A_451, %mul3A_453 : vector<16xi32>
    %get3A_455 = arith.constant 256 : index
    %get3A_456 = tpu.vector_load %arg11[%get3A_455] {strides = array<i32>} : memref<512xi32, #tpu.memory_space<vmem>>, vector<16xi32>,
    %get3A_457 = vector.shape_cast %get3A_456 : vector<16xi32> to vector<16xi32>
    %add3A_458 = arith.addi %mul3A_454, %get3A_457 : vector<16xi32>
    %mul3A_459 = arith.constant 2 : i32
    %mul3A_460 = vector.broadcast %mul3A_459 : i32 to vector<16xi32>
    %mul3A_461 = arith.muli %add3A_458, %mul3A_460 : vector<16xi32>
    %get3A_462 = arith.constant 256 : index
    %get3A_463 = tpu.vector_load %arg12[%get3A_462] {strides = array<i32>} : memref<512xi32, #tpu.memory_space<vmem>>, vector<16xi32>,
    %get3A_464 = vector.shape_cast %get3A_463 : vector<16xi32> to vector<16xi32>
    %add3A_465 = arith.addi %mul3A_461, %get3A_464 : vector<16xi32>
    %mul3A_466 = arith.constant 30 : i32
    %mul3A_467 = vector.broadcast %mul3A_466 : i32 to vector<16xi32>
    %mul3A_468 = arith.muli %add3A_465, %mul3A_467 : vector<16xi32>
    %get3A_469 = arith.constant 256 : index
    %get3A_470 = tpu.vector_load %arg13[%get3A_469] {strides = array<i32>} : memref<512xi32, #tpu.memory_space<vmem>>, vector<16xi32>,
    %get3A_471 = vector.shape_cast %get3A_470 : vector<16xi32> to vector<16xi32>
    %add3A_472 = arith.addi %mul3A_468, %get3A_471 : vector<16xi32>
    %swap3A_473 = arith.constant 256 : index
    %swap3A_474 = tpu.vector_load %arg8[%swap3A_473] {strides = array<i32>} : memref<512xi32, #tpu.memory_space<vmem>>, vector<16xi32>,
    %swap3A_475 = vector.shape_cast %swap3A_474 : vector<16xi32> to vector<16xi32>
    %swap3A_476 = vector.shape_cast %add3A_472 : vector<16xi32> to vector<16xi32>
    tpu.vector_store %arg8[%swap3A_473], %swap3A_476 {strides = array<i32>} : memref<512xi32, #tpu.memory_space<vmem>>, vector<16xi32>,
    %get3A_477 = arith.constant 272 : index
    %get3A_478 = tpu.vector_load %arg10[%get3A_477] {strides = array<i32>} : memref<512xi32, #tpu.memory_space<vmem>>, vector<16xi32>,
    %get3A_479 = vector.shape_cast %get3A_478 : vector<16xi32> to vector<16xi32>
    %mul3A_480 = arith.constant 12 : i32
    %mul3A_481 = vector.broadcast %mul3A_480 : i32 to vector<16xi32>
    %mul3A_482 = arith.muli %get3A_479, %mul3A_481 : vector<16xi32>
    %get3A_483 = arith.constant 272 : index
    %get3A_484 = tpu.vector_load %arg11[%get3A_483] {strides = array<i32>} : memref<512xi32, #tpu.memory_space<vmem>>, vector<16xi32>,
    %get3A_485 = vector.shape_cast %get3A_484 : vector<16xi32> to vector<16xi32>
    %add3A_486 = arith.addi %mul3A_482, %get3A_485 : vector<16xi32>
    %mul3A_487 = arith.constant 2 : i32
    %mul3A_488 = vector.broadcast %mul3A_487 : i32 to vector<16xi32>
    %mul3A_489 = arith.muli %add3A_486, %mul3A_488 : vector<16xi32>
    %get3A_490 = arith.constant 272 : index
    %get3A_491 = tpu.vector_load %arg12[%get3A_490] {strides = array<i32>} : memref<512xi32, #tpu.memory_space<vmem>>, vector<16xi32>,
    %get3A_492 = vector.shape_cast %get3A_491 : vector<16xi32> to vector<16xi32>
    %add3A_493 = arith.addi %mul3A_489, %get3A_492 : vector<16xi32>
    %mul3A_494 = arith.constant 30 : i32
    %mul3A_495 = vector.broadcast %mul3A_494 : i32 to vector<16xi32>
    %mul3A_496 = arith.muli %add3A_493, %mul3A_495 : vector<16xi32>
    %get3A_497 = arith.constant 272 : index
    %get3A_498 = tpu.vector_load %arg13[%get3A_497] {strides = array<i32>} : memref<512xi32, #tpu.memory_space<vmem>>, vector<16xi32>,
    %get3A_499 = vector.shape_cast %get3A_498 : vector<16xi32> to vector<16xi32>
    %add3A_500 = arith.addi %mul3A_496, %get3A_499 : vector<16xi32>
    %swap3A_501 = arith.constant 272 : index
    %swap3A_502 = tpu.vector_load %arg8[%swap3A_501] {strides = array<i32>} : memref<512xi32, #tpu.memory_space<vmem>>, vector<16xi32>,
    %swap3A_503 = vector.shape_cast %swap3A_502 : vector<16xi32> to vector<16xi32>
    %swap3A_504 = vector.shape_cast %add3A_500 : vector<16xi32> to vector<16xi32>
    tpu.vector_store %arg8[%swap3A_501], %swap3A_504 {strides = array<i32>} : memref<512xi32, #tpu.memory_space<vmem>>, vector<16xi32>,
    %get3A_505 = arith.constant 288 : index
    %get3A_506 = tpu.vector_load %arg10[%get3A_505] {strides = array<i32>} : memref<512xi32, #tpu.memory_space<vmem>>, vector<16xi32>,
    %get3A_507 = vector.shape_cast %get3A_506 : vector<16xi32> to vector<16xi32>
    %mul3A_508 = arith.constant 12 : i32
    %mul3A_509 = vector.broadcast %mul3A_508 : i32 to vector<16xi32>
    %mul3A_510 = arith.muli %get3A_507, %mul3A_509 : vector<16xi32>
    %get3A_511 = arith.constant 288 : index
    %get3A_512 = tpu.vector_load %arg11[%get3A_511] {strides = array<i32>} : memref<512xi32, #tpu.memory_space<vmem>>, vector<16xi32>,
    %get3A_513 = vector.shape_cast %get3A_512 : vector<16xi32> to vector<16xi32>
    %add3A_514 = arith.addi %mul3A_510, %get3A_513 : vector<16xi32>
    %mul3A_515 = arith.constant 2 : i32
    %mul3A_516 = vector.broadcast %mul3A_515 : i32 to vector<16xi32>
    %mul3A_517 = arith.muli %add3A_514, %mul3A_516 : vector<16xi32>
    %get3A_518 = arith.constant 288 : index
    %get3A_519 = tpu.vector_load %arg12[%get3A_518] {strides = array<i32>} : memref<512xi32, #tpu.memory_space<vmem>>, vector<16xi32>,
    %get3A_520 = vector.shape_cast %get3A_519 : vector<16xi32> to vector<16xi32>
    %add3A_521 = arith.addi %mul3A_517, %get3A_520 : vector<16xi32>
    %mul3A_522 = arith.constant 30 : i32
    %mul3A_523 = vector.broadcast %mul3A_522 : i32 to vector<16xi32>
    %mul3A_524 = arith.muli %add3A_521, %mul3A_523 : vector<16xi32>
    %get3A_525 = arith.constant 288 : index
    %get3A_526 = tpu.vector_load %arg13[%get3A_525] {strides = array<i32>} : memref<512xi32, #tpu.memory_space<vmem>>, vector<16xi32>,
    %get3A_527 = vector.shape_cast %get3A_526 : vector<16xi32> to vector<16xi32>
    %add3A_528 = arith.addi %mul3A_524, %get3A_527 : vector<16xi32>
    %swap3A_529 = arith.constant 288 : index
    %swap3A_530 = tpu.vector_load %arg8[%swap3A_529] {strides = array<i32>} : memref<512xi32, #tpu.memory_space<vmem>>, vector<16xi32>,
    %swap3A_531 = vector.shape_cast %swap3A_530 : vector<16xi32> to vector<16xi32>
    %swap3A_532 = vector.shape_cast %add3A_528 : vector<16xi32> to vector<16xi32>
    tpu.vector_store %arg8[%swap3A_529], %swap3A_532 {strides = array<i32>} : memref<512xi32, #tpu.memory_space<vmem>>, vector<16xi32>,
    %get3A_533 = arith.constant 304 : index
    %get3A_534 = tpu.vector_load %arg10[%get3A_533] {strides = array<i32>} : memref<512xi32, #tpu.memory_space<vmem>>, vector<16xi32>,
    %get3A_535 = vector.shape_cast %get3A_534 : vector<16xi32> to vector<16xi32>
    %mul3A_536 = arith.constant 12 : i32
    %mul3A_537 = vector.broadcast %mul3A_536 : i32 to vector<16xi32>
    %mul3A_538 = arith.muli %get3A_535, %mul3A_537 : vector<16xi32>
    %get3A_539 = arith.constant 304 : index
    %get3A_540 = tpu.vector_load %arg11[%get3A_539] {strides = array<i32>} : memref<512xi32, #tpu.memory_space<vmem>>, vector<16xi32>,
    %get3A_541 = vector.shape_cast %get3A_540 : vector<16xi32> to vector<16xi32>
    %add3A_542 = arith.addi %mul3A_538, %get3A_541 : vector<16xi32>
    %mul3A_543 = arith.constant 2 : i32
    %mul3A_544 = vector.broadcast %mul3A_543 : i32 to vector<16xi32>
    %mul3A_545 = arith.muli %add3A_542, %mul3A_544 : vector<16xi32>
    %get3A_546 = arith.constant 304 : index
    %get3A_547 = tpu.vector_load %arg12[%get3A_546] {strides = array<i32>} : memref<512xi32, #tpu.memory_space<vmem>>, vector<16xi32>,
    %get3A_548 = vector.shape_cast %get3A_547 : vector<16xi32> to vector<16xi32>
    %add3A_549 = arith.addi %mul3A_545, %get3A_548 : vector<16xi32>
    %mul3A_550 = arith.constant 30 : i32
    %mul3A_551 = vector.broadcast %mul3A_550 : i32 to vector<16xi32>
    %mul3A_552 = arith.muli %add3A_549, %mul3A_551 : vector<16xi32>
    %get3A_553 = arith.constant 304 : index
    %get3A_554 = tpu.vector_load %arg13[%get3A_553] {strides = array<i32>} : memref<512xi32, #tpu.memory_space<vmem>>, vector<16xi32>,
    %get3A_555 = vector.shape_cast %get3A_554 : vector<16xi32> to vector<16xi32>
    %add3A_556 = arith.addi %mul3A_552, %get3A_555 : vector<16xi32>
    %swap3A_557 = arith.constant 304 : index
    %swap3A_558 = tpu.vector_load %arg8[%swap3A_557] {strides = array<i32>} : memref<512xi32, #tpu.memory_space<vmem>>, vector<16xi32>,
    %swap3A_559 = vector.shape_cast %swap3A_558 : vector<16xi32> to vector<16xi32>
    %swap3A_560 = vector.shape_cast %add3A_556 : vector<16xi32> to vector<16xi32>
    tpu.vector_store %arg8[%swap3A_557], %swap3A_560 {strides = array<i32>} : memref<512xi32, #tpu.memory_space<vmem>>, vector<16xi32>,
    %get3A_561 = arith.constant 320 : index
    %get3A_562 = tpu.vector_load %arg10[%get3A_561] {strides = array<i32>} : memref<512xi32, #tpu.memory_space<vmem>>, vector<16xi32>,
    %get3A_563 = vector.shape_cast %get3A_562 : vector<16xi32> to vector<16xi32>
    %mul3A_564 = arith.constant 12 : i32
    %mul3A_565 = vector.broadcast %mul3A_564 : i32 to vector<16xi32>
    %mul3A_566 = arith.muli %get3A_563, %mul3A_565 : vector<16xi32>
    %get3A_567 = arith.constant 320 : index
    %get3A_568 = tpu.vector_load %arg11[%get3A_567] {strides = array<i32>} : memref<512xi32, #tpu.memory_space<vmem>>, vector<16xi32>,
    %get3A_569 = vector.shape_cast %get3A_568 : vector<16xi32> to vector<16xi32>
    %add3A_570 = arith.addi %mul3A_566, %get3A_569 : vector<16xi32>
    %mul3A_571 = arith.constant 2 : i32
    %mul3A_572 = vector.broadcast %mul3A_571 : i32 to vector<16xi32>
    %mul3A_573 = arith.muli %add3A_570, %mul3A_572 : vector<16xi32>
    %get3A_574 = arith.constant 320 : index
    %get3A_575 = tpu.vector_load %arg12[%get3A_574] {strides = array<i32>} : memref<512xi32, #tpu.memory_space<vmem>>, vector<16xi32>,
    %get3A_576 = vector.shape_cast %get3A_575 : vector<16xi32> to vector<16xi32>
    %add3A_577 = arith.addi %mul3A_573, %get3A_576 : vector<16xi32>
    %mul3A_578 = arith.constant 30 : i32
    %mul3A_579 = vector.broadcast %mul3A_578 : i32 to vector<16xi32>
    %mul3A_580 = arith.muli %add3A_577, %mul3A_579 : vector<16xi32>
    %get3A_581 = arith.constant 320 : index
    %get3A_582 = tpu.vector_load %arg13[%get3A_581] {strides = array<i32>} : memref<512xi32, #tpu.memory_space<vmem>>, vector<16xi32>,
    %get3A_583 = vector.shape_cast %get3A_582 : vector<16xi32> to vector<16xi32>
    %add3A_584 = arith.addi %mul3A_580, %get3A_583 : vector<16xi32>
    %swap3A_585 = arith.constant 320 : index
    %swap3A_586 = tpu.vector_load %arg8[%swap3A_585] {strides = array<i32>} : memref<512xi32, #tpu.memory_space<vmem>>, vector<16xi32>,
    %swap3A_587 = vector.shape_cast %swap3A_586 : vector<16xi32> to vector<16xi32>
    %swap3A_588 = vector.shape_cast %add3A_584 : vector<16xi32> to vector<16xi32>
    tpu.vector_store %arg8[%swap3A_585], %swap3A_588 {strides = array<i32>} : memref<512xi32, #tpu.memory_space<vmem>>, vector<16xi32>,
    %get3A_589 = arith.constant 336 : index
    %get3A_590 = tpu.vector_load %arg10[%get3A_589] {strides = array<i32>} : memref<512xi32, #tpu.memory_space<vmem>>, vector<16xi32>,
    %get3A_591 = vector.shape_cast %get3A_590 : vector<16xi32> to vector<16xi32>
    %mul3A_592 = arith.constant 12 : i32
    %mul3A_593 = vector.broadcast %mul3A_592 : i32 to vector<16xi32>
    %mul3A_594 = arith.muli %get3A_591, %mul3A_593 : vector<16xi32>
    %get3A_595 = arith.constant 336 : index
    %get3A_596 = tpu.vector_load %arg11[%get3A_595] {strides = array<i32>} : memref<512xi32, #tpu.memory_space<vmem>>, vector<16xi32>,
    %get3A_597 = vector.shape_cast %get3A_596 : vector<16xi32> to vector<16xi32>
    %add3A_598 = arith.addi %mul3A_594, %get3A_597 : vector<16xi32>
    %mul3A_599 = arith.constant 2 : i32
    %mul3A_600 = vector.broadcast %mul3A_599 : i32 to vector<16xi32>
    %mul3A_601 = arith.muli %add3A_598, %mul3A_600 : vector<16xi32>
    %get3A_602 = arith.constant 336 : index
    %get3A_603 = tpu.vector_load %arg12[%get3A_602] {strides = array<i32>} : memref<512xi32, #tpu.memory_space<vmem>>, vector<16xi32>,
    %get3A_604 = vector.shape_cast %get3A_603 : vector<16xi32> to vector<16xi32>
    %add3A_605 = arith.addi %mul3A_601, %get3A_604 : vector<16xi32>
    %mul3A_606 = arith.constant 30 : i32
    %mul3A_607 = vector.broadcast %mul3A_606 : i32 to vector<16xi32>
    %mul3A_608 = arith.muli %add3A_605, %mul3A_607 : vector<16xi32>
    %get3A_609 = arith.constant 336 : index
    %get3A_610 = tpu.vector_load %arg13[%get3A_609] {strides = array<i32>} : memref<512xi32, #tpu.memory_space<vmem>>, vector<16xi32>,
    %get3A_611 = vector.shape_cast %get3A_610 : vector<16xi32> to vector<16xi32>
    %add3A_612 = arith.addi %mul3A_608, %get3A_611 : vector<16xi32>
    %swap3A_613 = arith.constant 336 : index
    %swap3A_614 = tpu.vector_load %arg8[%swap3A_613] {strides = array<i32>} : memref<512xi32, #tpu.memory_space<vmem>>, vector<16xi32>,
    %swap3A_615 = vector.shape_cast %swap3A_614 : vector<16xi32> to vector<16xi32>
    %swap3A_616 = vector.shape_cast %add3A_612 : vector<16xi32> to vector<16xi32>
    tpu.vector_store %arg8[%swap3A_613], %swap3A_616 {strides = array<i32>} : memref<512xi32, #tpu.memory_space<vmem>>, vector<16xi32>,
    %get3A_617 = arith.constant 352 : index
    %get3A_618 = tpu.vector_load %arg10[%get3A_617] {strides = array<i32>} : memref<512xi32, #tpu.memory_space<vmem>>, vector<16xi32>,
    %get3A_619 = vector.shape_cast %get3A_618 : vector<16xi32> to vector<16xi32>
    %mul3A_620 = arith.constant 12 : i32
    %mul3A_621 = vector.broadcast %mul3A_620 : i32 to vector<16xi32>
    %mul3A_622 = arith.muli %get3A_619, %mul3A_621 : vector<16xi32>
    %get3A_623 = arith.constant 352 : index
    %get3A_624 = tpu.vector_load %arg11[%get3A_623] {strides = array<i32>} : memref<512xi32, #tpu.memory_space<vmem>>, vector<16xi32>,
    %get3A_625 = vector.shape_cast %get3A_624 : vector<16xi32> to vector<16xi32>
    %add3A_626 = arith.addi %mul3A_622, %get3A_625 : vector<16xi32>
    %mul3A_627 = arith.constant 2 : i32
    %mul3A_628 = vector.broadcast %mul3A_627 : i32 to vector<16xi32>
    %mul3A_629 = arith.muli %add3A_626, %mul3A_628 : vector<16xi32>
    %get3A_630 = arith.constant 352 : index
    %get3A_631 = tpu.vector_load %arg12[%get3A_630] {strides = array<i32>} : memref<512xi32, #tpu.memory_space<vmem>>, vector<16xi32>,
    %get3A_632 = vector.shape_cast %get3A_631 : vector<16xi32> to vector<16xi32>
    %add3A_633 = arith.addi %mul3A_629, %get3A_632 : vector<16xi32>
    %mul3A_634 = arith.constant 30 : i32
    %mul3A_635 = vector.broadcast %mul3A_634 : i32 to vector<16xi32>
    %mul3A_636 = arith.muli %add3A_633, %mul3A_635 : vector<16xi32>
    %get3A_637 = arith.constant 352 : index
    %get3A_638 = tpu.vector_load %arg13[%get3A_637] {strides = array<i32>} : memref<512xi32, #tpu.memory_space<vmem>>, vector<16xi32>,
    %get3A_639 = vector.shape_cast %get3A_638 : vector<16xi32> to vector<16xi32>
    %add3A_640 = arith.addi %mul3A_636, %get3A_639 : vector<16xi32>
    %swap3A_641 = arith.constant 352 : index
    %swap3A_642 = tpu.vector_load %arg8[%swap3A_641] {strides = array<i32>} : memref<512xi32, #tpu.memory_space<vmem>>, vector<16xi32>,
    %swap3A_643 = vector.shape_cast %swap3A_642 : vector<16xi32> to vector<16xi32>
    %swap3A_644 = vector.shape_cast %add3A_640 : vector<16xi32> to vector<16xi32>
    tpu.vector_store %arg8[%swap3A_641], %swap3A_644 {strides = array<i32>} : memref<512xi32, #tpu.memory_space<vmem>>, vector<16xi32>,
    %get3A_645 = arith.constant 368 : index
    %get3A_646 = tpu.vector_load %arg10[%get3A_645] {strides = array<i32>} : memref<512xi32, #tpu.memory_space<vmem>>, vector<16xi32>,
    %get3A_647 = vector.shape_cast %get3A_646 : vector<16xi32> to vector<16xi32>
    %mul3A_648 = arith.constant 12 : i32
    %mul3A_649 = vector.broadcast %mul3A_648 : i32 to vector<16xi32>
    %mul3A_650 = arith.muli %get3A_647, %mul3A_649 : vector<16xi32>
    %get3A_651 = arith.constant 368 : index
    %get3A_652 = tpu.vector_load %arg11[%get3A_651] {strides = array<i32>} : memref<512xi32, #tpu.memory_space<vmem>>, vector<16xi32>,
    %get3A_653 = vector.shape_cast %get3A_652 : vector<16xi32> to vector<16xi32>
    %add3A_654 = arith.addi %mul3A_650, %get3A_653 : vector<16xi32>
    %mul3A_655 = arith.constant 2 : i32
    %mul3A_656 = vector.broadcast %mul3A_655 : i32 to vector<16xi32>
    %mul3A_657 = arith.muli %add3A_654, %mul3A_656 : vector<16xi32>
    %get3A_658 = arith.constant 368 : index
    %get3A_659 = tpu.vector_load %arg12[%get3A_658] {strides = array<i32>} : memref<512xi32, #tpu.memory_space<vmem>>, vector<16xi32>,
    %get3A_660 = vector.shape_cast %get3A_659 : vector<16xi32> to vector<16xi32>
    %add3A_661 = arith.addi %mul3A_657, %get3A_660 : vector<16xi32>
    %mul3A_662 = arith.constant 30 : i32
    %mul3A_663 = vector.broadcast %mul3A_662 : i32 to vector<16xi32>
    %mul3A_664 = arith.muli %add3A_661, %mul3A_663 : vector<16xi32>
    %get3A_665 = arith.constant 368 : index
    %get3A_666 = tpu.vector_load %arg13[%get3A_665] {strides = array<i32>} : memref<512xi32, #tpu.memory_space<vmem>>, vector<16xi32>,
    %get3A_667 = vector.shape_cast %get3A_666 : vector<16xi32> to vector<16xi32>
    %add3A_668 = arith.addi %mul3A_664, %get3A_667 : vector<16xi32>
    %swap3A_669 = arith.constant 368 : index
    %swap3A_670 = tpu.vector_load %arg8[%swap3A_669] {strides = array<i32>} : memref<512xi32, #tpu.memory_space<vmem>>, vector<16xi32>,
    %swap3A_671 = vector.shape_cast %swap3A_670 : vector<16xi32> to vector<16xi32>
    %swap3A_672 = vector.shape_cast %add3A_668 : vector<16xi32> to vector<16xi32>
    tpu.vector_store %arg8[%swap3A_669], %swap3A_672 {strides = array<i32>} : memref<512xi32, #tpu.memory_space<vmem>>, vector<16xi32>,
    %get3A_673 = arith.constant 384 : index
    %get3A_674 = tpu.vector_load %arg10[%get3A_673] {strides = array<i32>} : memref<512xi32, #tpu.memory_space<vmem>>, vector<16xi32>,
    %get3A_675 = vector.shape_cast %get3A_674 : vector<16xi32> to vector<16xi32>
    %mul3A_676 = arith.constant 12 : i32
    %mul3A_677 = vector.broadcast %mul3A_676 : i32 to vector<16xi32>
    %mul3A_678 = arith.muli %get3A_675, %mul3A_677 : vector<16xi32>
    %get3A_679 = arith.constant 384 : index
    %get3A_680 = tpu.vector_load %arg11[%get3A_679] {strides = array<i32>} : memref<512xi32, #tpu.memory_space<vmem>>, vector<16xi32>,
    %get3A_681 = vector.shape_cast %get3A_680 : vector<16xi32> to vector<16xi32>
    %add3A_682 = arith.addi %mul3A_678, %get3A_681 : vector<16xi32>
    %mul3A_683 = arith.constant 2 : i32
    %mul3A_684 = vector.broadcast %mul3A_683 : i32 to vector<16xi32>
    %mul3A_685 = arith.muli %add3A_682, %mul3A_684 : vector<16xi32>
    %get3A_686 = arith.constant 384 : index
    %get3A_687 = tpu.vector_load %arg12[%get3A_686] {strides = array<i32>} : memref<512xi32, #tpu.memory_space<vmem>>, vector<16xi32>,
    %get3A_688 = vector.shape_cast %get3A_687 : vector<16xi32> to vector<16xi32>
    %add3A_689 = arith.addi %mul3A_685, %get3A_688 : vector<16xi32>
    %mul3A_690 = arith.constant 30 : i32
    %mul3A_691 = vector.broadcast %mul3A_690 : i32 to vector<16xi32>
    %mul3A_692 = arith.muli %add3A_689, %mul3A_691 : vector<16xi32>
    %get3A_693 = arith.constant 384 : index
    %get3A_694 = tpu.vector_load %arg13[%get3A_693] {strides = array<i32>} : memref<512xi32, #tpu.memory_space<vmem>>, vector<16xi32>,
    %get3A_695 = vector.shape_cast %get3A_694 : vector<16xi32> to vector<16xi32>
    %add3A_696 = arith.addi %mul3A_692, %get3A_695 : vector<16xi32>
    %swap3A_697 = arith.constant 384 : index
    %swap3A_698 = tpu.vector_load %arg8[%swap3A_697] {strides = array<i32>} : memref<512xi32, #tpu.memory_space<vmem>>, vector<16xi32>,
    %swap3A_699 = vector.shape_cast %swap3A_698 : vector<16xi32> to vector<16xi32>
    %swap3A_700 = vector.shape_cast %add3A_696 : vector<16xi32> to vector<16xi32>
    tpu.vector_store %arg8[%swap3A_697], %swap3A_700 {strides = array<i32>} : memref<512xi32, #tpu.memory_space<vmem>>, vector<16xi32>,
    %get3A_701 = arith.constant 400 : index
    %get3A_702 = tpu.vector_load %arg10[%get3A_701] {strides = array<i32>} : memref<512xi32, #tpu.memory_space<vmem>>, vector<16xi32>,
    %get3A_703 = vector.shape_cast %get3A_702 : vector<16xi32> to vector<16xi32>
    %mul3A_704 = arith.constant 12 : i32
    %mul3A_705 = vector.broadcast %mul3A_704 : i32 to vector<16xi32>
    %mul3A_706 = arith.muli %get3A_703, %mul3A_705 : vector<16xi32>
    %get3A_707 = arith.constant 400 : index
    %get3A_708 = tpu.vector_load %arg11[%get3A_707] {strides = array<i32>} : memref<512xi32, #tpu.memory_space<vmem>>, vector<16xi32>,
    %get3A_709 = vector.shape_cast %get3A_708 : vector<16xi32> to vector<16xi32>
    %add3A_710 = arith.addi %mul3A_706, %get3A_709 : vector<16xi32>
    %mul3A_711 = arith.constant 2 : i32
    %mul3A_712 = vector.broadcast %mul3A_711 : i32 to vector<16xi32>
    %mul3A_713 = arith.muli %add3A_710, %mul3A_712 : vector<16xi32>
    %get3A_714 = arith.constant 400 : index
    %get3A_715 = tpu.vector_load %arg12[%get3A_714] {strides = array<i32>} : memref<512xi32, #tpu.memory_space<vmem>>, vector<16xi32>,
    %get3A_716 = vector.shape_cast %get3A_715 : vector<16xi32> to vector<16xi32>
    %add3A_717 = arith.addi %mul3A_713, %get3A_716 : vector<16xi32>
    %mul3A_718 = arith.constant 30 : i32
    %mul3A_719 = vector.broadcast %mul3A_718 : i32 to vector<16xi32>
    %mul3A_720 = arith.muli %add3A_717, %mul3A_719 : vector<16xi32>
    %get3A_721 = arith.constant 400 : index
    %get3A_722 = tpu.vector_load %arg13[%get3A_721] {strides = array<i32>} : memref<512xi32, #tpu.memory_space<vmem>>, vector<16xi32>,
    %get3A_723 = vector.shape_cast %get3A_722 : vector<16xi32> to vector<16xi32>
    %add3A_724 = arith.addi %mul3A_720, %get3A_723 : vector<16xi32>
    %swap3A_725 = arith.constant 400 : index
    %swap3A_726 = tpu.vector_load %arg8[%swap3A_725] {strides = array<i32>} : memref<512xi32, #tpu.memory_space<vmem>>, vector<16xi32>,
    %swap3A_727 = vector.shape_cast %swap3A_726 : vector<16xi32> to vector<16xi32>
    %swap3A_728 = vector.shape_cast %add3A_724 : vector<16xi32> to vector<16xi32>
    tpu.vector_store %arg8[%swap3A_725], %swap3A_728 {strides = array<i32>} : memref<512xi32, #tpu.memory_space<vmem>>, vector<16xi32>,
    %get3A_729 = arith.constant 416 : index
    %get3A_730 = tpu.vector_load %arg10[%get3A_729] {strides = array<i32>} : memref<512xi32, #tpu.memory_space<vmem>>, vector<16xi32>,
    %get3A_731 = vector.shape_cast %get3A_730 : vector<16xi32> to vector<16xi32>
    %mul3A_732 = arith.constant 12 : i32
    %mul3A_733 = vector.broadcast %mul3A_732 : i32 to vector<16xi32>
    %mul3A_734 = arith.muli %get3A_731, %mul3A_733 : vector<16xi32>
    %get3A_735 = arith.constant 416 : index
    %get3A_736 = tpu.vector_load %arg11[%get3A_735] {strides = array<i32>} : memref<512xi32, #tpu.memory_space<vmem>>, vector<16xi32>,
    %get3A_737 = vector.shape_cast %get3A_736 : vector<16xi32> to vector<16xi32>
    %add3A_738 = arith.addi %mul3A_734, %get3A_737 : vector<16xi32>
    %mul3A_739 = arith.constant 2 : i32
    %mul3A_740 = vector.broadcast %mul3A_739 : i32 to vector<16xi32>
    %mul3A_741 = arith.muli %add3A_738, %mul3A_740 : vector<16xi32>
    %get3A_742 = arith.constant 416 : index
    %get3A_743 = tpu.vector_load %arg12[%get3A_742] {strides = array<i32>} : memref<512xi32, #tpu.memory_space<vmem>>, vector<16xi32>,
    %get3A_744 = vector.shape_cast %get3A_743 : vector<16xi32> to vector<16xi32>
    %add3A_745 = arith.addi %mul3A_741, %get3A_744 : vector<16xi32>
    %mul3A_746 = arith.constant 30 : i32
    %mul3A_747 = vector.broadcast %mul3A_746 : i32 to vector<16xi32>
    %mul3A_748 = arith.muli %add3A_745, %mul3A_747 : vector<16xi32>
    %get3A_749 = arith.constant 416 : index
    %get3A_750 = tpu.vector_load %arg13[%get3A_749] {strides = array<i32>} : memref<512xi32, #tpu.memory_space<vmem>>, vector<16xi32>,
    %get3A_751 = vector.shape_cast %get3A_750 : vector<16xi32> to vector<16xi32>
    %add3A_752 = arith.addi %mul3A_748, %get3A_751 : vector<16xi32>
    %swap3A_753 = arith.constant 416 : index
    %swap3A_754 = tpu.vector_load %arg8[%swap3A_753] {strides = array<i32>} : memref<512xi32, #tpu.memory_space<vmem>>, vector<16xi32>,
    %swap3A_755 = vector.shape_cast %swap3A_754 : vector<16xi32> to vector<16xi32>
    %swap3A_756 = vector.shape_cast %add3A_752 : vector<16xi32> to vector<16xi32>
    tpu.vector_store %arg8[%swap3A_753], %swap3A_756 {strides = array<i32>} : memref<512xi32, #tpu.memory_space<vmem>>, vector<16xi32>,
    %get3A_757 = arith.constant 432 : index
    %get3A_758 = tpu.vector_load %arg10[%get3A_757] {strides = array<i32>} : memref<512xi32, #tpu.memory_space<vmem>>, vector<16xi32>,
    %get3A_759 = vector.shape_cast %get3A_758 : vector<16xi32> to vector<16xi32>
    %mul3A_760 = arith.constant 12 : i32
    %mul3A_761 = vector.broadcast %mul3A_760 : i32 to vector<16xi32>
    %mul3A_762 = arith.muli %get3A_759, %mul3A_761 : vector<16xi32>
    %get3A_763 = arith.constant 432 : index
    %get3A_764 = tpu.vector_load %arg11[%get3A_763] {strides = array<i32>} : memref<512xi32, #tpu.memory_space<vmem>>, vector<16xi32>,
    %get3A_765 = vector.shape_cast %get3A_764 : vector<16xi32> to vector<16xi32>
    %add3A_766 = arith.addi %mul3A_762, %get3A_765 : vector<16xi32>
    %mul3A_767 = arith.constant 2 : i32
    %mul3A_768 = vector.broadcast %mul3A_767 : i32 to vector<16xi32>
    %mul3A_769 = arith.muli %add3A_766, %mul3A_768 : vector<16xi32>
    %get3A_770 = arith.constant 432 : index
    %get3A_771 = tpu.vector_load %arg12[%get3A_770] {strides = array<i32>} : memref<512xi32, #tpu.memory_space<vmem>>, vector<16xi32>,
    %get3A_772 = vector.shape_cast %get3A_771 : vector<16xi32> to vector<16xi32>
    %add3A_773 = arith.addi %mul3A_769, %get3A_772 : vector<16xi32>
    %mul3A_774 = arith.constant 30 : i32
    %mul3A_775 = vector.broadcast %mul3A_774 : i32 to vector<16xi32>
    %mul3A_776 = arith.muli %add3A_773, %mul3A_775 : vector<16xi32>
    %get3A_777 = arith.constant 432 : index
    %get3A_778 = tpu.vector_load %arg13[%get3A_777] {strides = array<i32>} : memref<512xi32, #tpu.memory_space<vmem>>, vector<16xi32>,
    %get3A_779 = vector.shape_cast %get3A_778 : vector<16xi32> to vector<16xi32>
    %add3A_780 = arith.addi %mul3A_776, %get3A_779 : vector<16xi32>
    %swap3A_781 = arith.constant 432 : index
    %swap3A_782 = tpu.vector_load %arg8[%swap3A_781] {strides = array<i32>} : memref<512xi32, #tpu.memory_space<vmem>>, vector<16xi32>,
    %swap3A_783 = vector.shape_cast %swap3A_782 : vector<16xi32> to vector<16xi32>
    %swap3A_784 = vector.shape_cast %add3A_780 : vector<16xi32> to vector<16xi32>
    tpu.vector_store %arg8[%swap3A_781], %swap3A_784 {strides = array<i32>} : memref<512xi32, #tpu.memory_space<vmem>>, vector<16xi32>,
    %get3A_785 = arith.constant 448 : index
    %get3A_786 = tpu.vector_load %arg10[%get3A_785] {strides = array<i32>} : memref<512xi32, #tpu.memory_space<vmem>>, vector<16xi32>,
    %get3A_787 = vector.shape_cast %get3A_786 : vector<16xi32> to vector<16xi32>
    %mul3A_788 = arith.constant 12 : i32
    %mul3A_789 = vector.broadcast %mul3A_788 : i32 to vector<16xi32>
    %mul3A_790 = arith.muli %get3A_787, %mul3A_789 : vector<16xi32>
    %get3A_791 = arith.constant 448 : index
    %get3A_792 = tpu.vector_load %arg11[%get3A_791] {strides = array<i32>} : memref<512xi32, #tpu.memory_space<vmem>>, vector<16xi32>,
    %get3A_793 = vector.shape_cast %get3A_792 : vector<16xi32> to vector<16xi32>
    %add3A_794 = arith.addi %mul3A_790, %get3A_793 : vector<16xi32>
    %mul3A_795 = arith.constant 2 : i32
    %mul3A_796 = vector.broadcast %mul3A_795 : i32 to vector<16xi32>
    %mul3A_797 = arith.muli %add3A_794, %mul3A_796 : vector<16xi32>
    %get3A_798 = arith.constant 448 : index
    %get3A_799 = tpu.vector_load %arg12[%get3A_798] {strides = array<i32>} : memref<512xi32, #tpu.memory_space<vmem>>, vector<16xi32>,
    %get3A_800 = vector.shape_cast %get3A_799 : vector<16xi32> to vector<16xi32>
    %add3A_801 = arith.addi %mul3A_797, %get3A_800 : vector<16xi32>
    %mul3A_802 = arith.constant 30 : i32
    %mul3A_803 = vector.broadcast %mul3A_802 : i32 to vector<16xi32>
    %mul3A_804 = arith.muli %add3A_801, %mul3A_803 : vector<16xi32>
    %get3A_805 = arith.constant 448 : index
    %get3A_806 = tpu.vector_load %arg13[%get3A_805] {strides = array<i32>} : memref<512xi32, #tpu.memory_space<vmem>>, vector<16xi32>,
    %get3A_807 = vector.shape_cast %get3A_806 : vector<16xi32> to vector<16xi32>
    %add3A_808 = arith.addi %mul3A_804, %get3A_807 : vector<16xi32>
    %swap3A_809 = arith.constant 448 : index
    %swap3A_810 = tpu.vector_load %arg8[%swap3A_809] {strides = array<i32>} : memref<512xi32, #tpu.memory_space<vmem>>, vector<16xi32>,
    %swap3A_811 = vector.shape_cast %swap3A_810 : vector<16xi32> to vector<16xi32>
    %swap3A_812 = vector.shape_cast %add3A_808 : vector<16xi32> to vector<16xi32>
    tpu.vector_store %arg8[%swap3A_809], %swap3A_812 {strides = array<i32>} : memref<512xi32, #tpu.memory_space<vmem>>, vector<16xi32>,
    %get3A_813 = arith.constant 464 : index
    %get3A_814 = tpu.vector_load %arg10[%get3A_813] {strides = array<i32>} : memref<512xi32, #tpu.memory_space<vmem>>, vector<16xi32>,
    %get3A_815 = vector.shape_cast %get3A_814 : vector<16xi32> to vector<16xi32>
    %mul3A_816 = arith.constant 12 : i32
    %mul3A_817 = vector.broadcast %mul3A_816 : i32 to vector<16xi32>
    %mul3A_818 = arith.muli %get3A_815, %mul3A_817 : vector<16xi32>
    %get3A_819 = arith.constant 464 : index
    %get3A_820 = tpu.vector_load %arg11[%get3A_819] {strides = array<i32>} : memref<512xi32, #tpu.memory_space<vmem>>, vector<16xi32>,
    %get3A_821 = vector.shape_cast %get3A_820 : vector<16xi32> to vector<16xi32>
    %add3A_822 = arith.addi %mul3A_818, %get3A_821 : vector<16xi32>
    %mul3A_823 = arith.constant 2 : i32
    %mul3A_824 = vector.broadcast %mul3A_823 : i32 to vector<16xi32>
    %mul3A_825 = arith.muli %add3A_822, %mul3A_824 : vector<16xi32>
    %get3A_826 = arith.constant 464 : index
    %get3A_827 = tpu.vector_load %arg12[%get3A_826] {strides = array<i32>} : memref<512xi32, #tpu.memory_space<vmem>>, vector<16xi32>,
    %get3A_828 = vector.shape_cast %get3A_827 : vector<16xi32> to vector<16xi32>
    %add3A_829 = arith.addi %mul3A_825, %get3A_828 : vector<16xi32>
    %mul3A_830 = arith.constant 30 : i32
    %mul3A_831 = vector.broadcast %mul3A_830 : i32 to vector<16xi32>
    %mul3A_832 = arith.muli %add3A_829, %mul3A_831 : vector<16xi32>
    %get3A_833 = arith.constant 464 : index
    %get3A_834 = tpu.vector_load %arg13[%get3A_833] {strides = array<i32>} : memref<512xi32, #tpu.memory_space<vmem>>, vector<16xi32>,
    %get3A_835 = vector.shape_cast %get3A_834 : vector<16xi32> to vector<16xi32>
    %add3A_836 = arith.addi %mul3A_832, %get3A_835 : vector<16xi32>
    %swap3A_837 = arith.constant 464 : index
    %swap3A_838 = tpu.vector_load %arg8[%swap3A_837] {strides = array<i32>} : memref<512xi32, #tpu.memory_space<vmem>>, vector<16xi32>,
    %swap3A_839 = vector.shape_cast %swap3A_838 : vector<16xi32> to vector<16xi32>
    %swap3A_840 = vector.shape_cast %add3A_836 : vector<16xi32> to vector<16xi32>
    tpu.vector_store %arg8[%swap3A_837], %swap3A_840 {strides = array<i32>} : memref<512xi32, #tpu.memory_space<vmem>>, vector<16xi32>,
    %get3A_841 = arith.constant 480 : index
    %get3A_842 = tpu.vector_load %arg10[%get3A_841] {strides = array<i32>} : memref<512xi32, #tpu.memory_space<vmem>>, vector<16xi32>,
    %get3A_843 = vector.shape_cast %get3A_842 : vector<16xi32> to vector<16xi32>
    %mul3A_844 = arith.constant 12 : i32
    %mul3A_845 = vector.broadcast %mul3A_844 : i32 to vector<16xi32>
    %mul3A_846 = arith.muli %get3A_843, %mul3A_845 : vector<16xi32>
    %get3A_847 = arith.constant 480 : index
    %get3A_848 = tpu.vector_load %arg11[%get3A_847] {strides = array<i32>} : memref<512xi32, #tpu.memory_space<vmem>>, vector<16xi32>,
    %get3A_849 = vector.shape_cast %get3A_848 : vector<16xi32> to vector<16xi32>
    %add3A_850 = arith.addi %mul3A_846, %get3A_849 : vector<16xi32>
    %mul3A_851 = arith.constant 2 : i32
    %mul3A_852 = vector.broadcast %mul3A_851 : i32 to vector<16xi32>
    %mul3A_853 = arith.muli %add3A_850, %mul3A_852 : vector<16xi32>
    %get3A_854 = arith.constant 480 : index
    %get3A_855 = tpu.vector_load %arg12[%get3A_854] {strides = array<i32>} : memref<512xi32, #tpu.memory_space<vmem>>, vector<16xi32>,
    %get3A_856 = vector.shape_cast %get3A_855 : vector<16xi32> to vector<16xi32>
    %add3A_857 = arith.addi %mul3A_853, %get3A_856 : vector<16xi32>
    %mul3A_858 = arith.constant 30 : i32
    %mul3A_859 = vector.broadcast %mul3A_858 : i32 to vector<16xi32>
    %mul3A_860 = arith.muli %add3A_857, %mul3A_859 : vector<16xi32>
    %get3A_861 = arith.constant 480 : index
    %get3A_862 = tpu.vector_load %arg13[%get3A_861] {strides = array<i32>} : memref<512xi32, #tpu.memory_space<vmem>>, vector<16xi32>,
    %get3A_863 = vector.shape_cast %get3A_862 : vector<16xi32> to vector<16xi32>
    %add3A_864 = arith.addi %mul3A_860, %get3A_863 : vector<16xi32>
    %swap3A_865 = arith.constant 480 : index
    %swap3A_866 = tpu.vector_load %arg8[%swap3A_865] {strides = array<i32>} : memref<512xi32, #tpu.memory_space<vmem>>, vector<16xi32>,
    %swap3A_867 = vector.shape_cast %swap3A_866 : vector<16xi32> to vector<16xi32>
    %swap3A_868 = vector.shape_cast %add3A_864 : vector<16xi32> to vector<16xi32>
    tpu.vector_store %arg8[%swap3A_865], %swap3A_868 {strides = array<i32>} : memref<512xi32, #tpu.memory_space<vmem>>, vector<16xi32>,
    %get3A_869 = arith.constant 496 : index
    %get3A_870 = tpu.vector_load %arg10[%get3A_869] {strides = array<i32>} : memref<512xi32, #tpu.memory_space<vmem>>, vector<16xi32>,
    %get3A_871 = vector.shape_cast %get3A_870 : vector<16xi32> to vector<16xi32>
    %mul3A_872 = arith.constant 12 : i32
    %mul3A_873 = vector.broadcast %mul3A_872 : i32 to vector<16xi32>
    %mul3A_874 = arith.muli %get3A_871, %mul3A_873 : vector<16xi32>
    %get3A_875 = arith.constant 496 : index
    %get3A_876 = tpu.vector_load %arg11[%get3A_875] {strides = array<i32>} : memref<512xi32, #tpu.memory_space<vmem>>, vector<16xi32>,
    %get3A_877 = vector.shape_cast %get3A_876 : vector<16xi32> to vector<16xi32>
    %add3A_878 = arith.addi %mul3A_874, %get3A_877 : vector<16xi32>
    %mul3A_879 = arith.constant 2 : i32
    %mul3A_880 = vector.broadcast %mul3A_879 : i32 to vector<16xi32>
    %mul3A_881 = arith.muli %add3A_878, %mul3A_880 : vector<16xi32>
    %get3A_882 = arith.constant 496 : index
    %get3A_883 = tpu.vector_load %arg12[%get3A_882] {strides = array<i32>} : memref<512xi32, #tpu.memory_space<vmem>>, vector<16xi32>,
    %get3A_884 = vector.shape_cast %get3A_883 : vector<16xi32> to vector<16xi32>
    %add3A_885 = arith.addi %mul3A_881, %get3A_884 : vector<16xi32>
    %mul3A_886 = arith.constant 30 : i32
    %mul3A_887 = vector.broadcast %mul3A_886 : i32 to vector<16xi32>
    %mul3A_888 = arith.muli %add3A_885, %mul3A_887 : vector<16xi32>
    %get3A_889 = arith.constant 496 : index
    %get3A_890 = tpu.vector_load %arg13[%get3A_889] {strides = array<i32>} : memref<512xi32, #tpu.memory_space<vmem>>, vector<16xi32>,
    %get3A_891 = vector.shape_cast %get3A_890 : vector<16xi32> to vector<16xi32>
    %add3A_892 = arith.addi %mul3A_888, %get3A_891 : vector<16xi32>
    %swap3A_893 = arith.constant 496 : index
    %swap3A_894 = tpu.vector_load %arg8[%swap3A_893] {strides = array<i32>} : memref<512xi32, #tpu.memory_space<vmem>>, vector<16xi32>,
    %swap3A_895 = vector.shape_cast %swap3A_894 : vector<16xi32> to vector<16xi32>
    %swap3A_896 = vector.shape_cast %add3A_892 : vector<16xi32> to vector<16xi32>
    tpu.vector_store %arg8[%swap3A_893], %swap3A_896 {strides = array<i32>} : memref<512xi32, #tpu.memory_space<vmem>>, vector<16xi32>,
    %dma_start3A = arith.constant 0 : i32
    %dma_start3A_897 = arith.constant 0 : i32
    %dma_start3A_898 = tpu.memref_slice %arg2[%dma_start3A, %dma_start3A_897] : memref<5040x128xf32, #tpu.memory_space<hbm>> -> memref<5040x128xf32, #tpu.memory_space<hbm>>
    tpu.enqueue_indirect_dma source(%dma_start3A_898 : memref<5040x128xf32, #tpu.memory_space<hbm>>) target(%arg9 : memref<512x128xf32, #tpu.memory_space<vmem>>) offsets(%arg8 : memref<512xi32, #tpu.memory_space<vmem>>) semaphore(%arg14 : memref<!tpu.dma_semaphore, #tpu.memory_space<semaphore_mem>>)
    %dma_wait3A = arith.constant 0 : i32
    %dma_wait3A_899 = arith.constant 0 : i32
    %dma_wait3A_900 = tpu.memref_slice %arg2[%dma_wait3A, %dma_wait3A_899] : memref<5040x128xf32, #tpu.memory_space<hbm>> -> memref<5040x128xf32, #tpu.memory_space<hbm>>
    tpu.wait_indirect_dma semaphore(%arg14 : memref<!tpu.dma_semaphore, #tpu.memory_space<semaphore_mem>>) src(%dma_wait3A_900 : memref<5040x128xf32, #tpu.memory_space<hbm>>) dst(%arg9 : memref<512x128xf32, #tpu.memory_space<vmem>>)
    "tpu.region"() ({
      %run_scoped3A = tpu.sem_alloc : memref<!tpu.dma_semaphore, #tpu.memory_space<semaphore_mem>>
      %dma_start3A_901 = arith.constant 0 : i32
      %dma_start3A_902 = tpu.memref_slice %arg7[%mul3A_2, %dma_start3A_901] : memref<16384x128xf32, #tpu.memory_space<hbm>> -> memref<512x128xf32, #tpu.memory_space<hbm>>
      %dma_start3A_903 = arith.constant 0 : i32
      %dma_start3A_904 = tpu.memref_slice %arg7[%mul3A_2, %dma_start3A_903] : memref<16384x128xf32, #tpu.memory_space<hbm>> -> memref<512x128xf32, #tpu.memory_space<hbm>>
      tpu.enqueue_dma source(%arg9 : memref<512x128xf32, #tpu.memory_space<vmem>>) target(%dma_start3A_904 : memref<512x128xf32, #tpu.memory_space<hbm>>) target_semaphore(%run_scoped3A : memref<!tpu.dma_semaphore, #tpu.memory_space<semaphore_mem>>)
      %dma_wait3A_905 = arith.constant 0 : i32
      %dma_wait3A_906 = tpu.memref_slice %arg7[%mul3A_2, %dma_wait3A_905] : memref<16384x128xf32, #tpu.memory_space<hbm>> -> memref<512x128xf32, #tpu.memory_space<hbm>>
      %dma_wait3A_907 = arith.constant 0 : i32
      %dma_wait3A_908 = tpu.memref_slice %arg7[%mul3A_2, %dma_wait3A_907] : memref<16384x128xf32, #tpu.memory_space<hbm>> -> memref<512x128xf32, #tpu.memory_space<hbm>>
      tpu.wait_dma2 semaphore(%run_scoped3A : memref<!tpu.dma_semaphore, #tpu.memory_space<semaphore_mem>>) src(%arg9 : memref<512x128xf32, #tpu.memory_space<vmem>>) dst(%dma_wait3A_908 : memref<512x128xf32, #tpu.memory_space<hbm>>)
      tpu.yield
    }) : () -> ()
    return
  }
}

module attributes {stable_mosaic.version = 14 : i64} {
  func.func @_mlp2_body(%arg0: i32, %arg1: memref<1024x128xf32, #tpu.memory_space<vmem>>, %arg2: memref<96x96xf32, #tpu.memory_space<vmem>>, %arg3: memref<96x1xf32, #tpu.memory_space<vmem>>, %arg4: memref<96x1024xf32, #tpu.memory_space<vmem>>) attributes {dimension_semantics = [#tpu.dimension_semantics<arbitrary>], iteration_bounds = array<i64: 16>, scalar_prefetch = 0 : i64, scratch_operands = 0 : i64, tpu.core_type = #tpu.core_type<tc>, window_params = [{transform_indices = @transform_0, window_bounds = array<i64: 1024, 128>}, {pipeline_mode = #tpu.pipeline_mode<synchronous>, transform_indices = @transform_1, window_bounds = array<i64: 96, 96>}, {pipeline_mode = #tpu.pipeline_mode<synchronous>, transform_indices = @transform_2, window_bounds = array<i64: 96, 1>}, {transform_indices = @transform_3, window_bounds = array<i64: 96, 1024>}]} {
    %get3A = arith.constant 0 : index
    %get3A_0 = arith.constant 0 : index
    %get3A_1 = vector.load %arg1[%get3A, %get3A_0] : memref<1024x128xf32, #tpu.memory_space<vmem>>, vector<1024x96xf32>
    %integer_pow3A = arith.mulf %get3A_1, %get3A_1 : vector<1024x96xf32>
    %integer_pow3A_2 = arith.mulf %get3A_1, %integer_pow3A : vector<1024x96xf32>
    %mul3A = arith.constant 4.471500e-02 : f32
    %mul3A_3 = vector.broadcast %mul3A : f32 to vector<1024x96xf32>
    %mul3A_4 = arith.mulf %mul3A_3, %integer_pow3A_2 : vector<1024x96xf32>
    %add3A = arith.addf %get3A_1, %mul3A_4 : vector<1024x96xf32>
    %mul3A_5 = arith.constant 0.797884583 : f32
    %mul3A_6 = vector.broadcast %mul3A_5 : f32 to vector<1024x96xf32>
    %mul3A_7 = arith.mulf %mul3A_6, %add3A : vector<1024x96xf32>
    %tanh3A = math.tanh %mul3A_7 : vector<1024x96xf32>
    %add3A_8 = arith.constant 1.000000e+00 : f32
    %add3A_9 = vector.broadcast %add3A_8 : f32 to vector<1024x96xf32>
    %add3A_10 = arith.addf %add3A_9, %tanh3A : vector<1024x96xf32>
    %mul3A_11 = arith.constant 5.000000e-01 : f32
    %mul3A_12 = vector.broadcast %mul3A_11 : f32 to vector<1024x96xf32>
    %mul3A_13 = arith.mulf %mul3A_12, %add3A_10 : vector<1024x96xf32>
    %mul3A_14 = arith.mulf %get3A_1, %mul3A_13 : vector<1024x96xf32>
    %get3A_15 = arith.constant 0 : index
    %get3A_16 = arith.constant 0 : index
    %get3A_17 = vector.load %arg2[%get3A_15, %get3A_16] : memref<96x96xf32, #tpu.memory_space<vmem>>, vector<96x96xf32>
    %dot_general3A = arith.constant dense<0.000000e+00> : vector<1024x96xf32>
    %dot_general3A_18 = tpu.matmul %mul3A_14, %get3A_17, %dot_general3A {dimension_numbers = #tpu.dot_dimension_numbers<[1], [0], [0], [1], [0, 0, 1, 1], [], []>, transpose_lhs_hint = false} : vector<1024x96xf32>, vector<96x96xf32>, vector<1024x96xf32> -> vector<1024x96xf32>
    %transpose3A = tpu.transpose %dot_general3A_18, [1, 0] : vector<1024x96xf32> -> vector<96x1024xf32>
    %get3A_19 = arith.constant 0 : index
    %get3A_20 = arith.constant 0 : index
    %get3A_21 = vector.load %arg3[%get3A_19, %get3A_20] : memref<96x1xf32, #tpu.memory_space<vmem>>, vector<96x1xf32>
    %add3A_22 = vector.broadcast %get3A_21 : vector<96x1xf32> to vector<96x1024xf32>
    %add3A_23 = arith.addf %transpose3A, %add3A_22 : vector<96x1024xf32>
    %swap3A = arith.constant 0 : index
    %swap3A_24 = arith.constant 0 : index
    %swap3A_25 = vector.load %arg4[%swap3A, %swap3A_24] : memref<96x1024xf32, #tpu.memory_space<vmem>>, vector<96x1024xf32>
    tpu.vector_store %arg4[%swap3A, %swap3A_24], %add3A_23 {strides = array<i32>} : memref<96x1024xf32, #tpu.memory_space<vmem>>, vector<96x1024xf32>,
    return
  }
  func.func @transform_0(%arg0: i32) -> (i32, i32) {
    %c0_i32 = arith.constant 0 : i32
    %c0_i32_0 = arith.constant 0 : i32
    return %arg0, %c0_i32 : i32, i32
  }
  func.func @transform_1(%arg0: i32) -> (i32, i32) {
    %c0_i32 = arith.constant 0 : i32
    %c0_i32_0 = arith.constant 0 : i32
    %c0_i32_1 = arith.constant 0 : i32
    return %c0_i32, %c0_i32_0 : i32, i32
  }
  func.func @transform_2(%arg0: i32) -> (i32, i32) {
    %c0_i32 = arith.constant 0 : i32
    %c0_i32_0 = arith.constant 0 : i32
    %c0_i32_1 = arith.constant 0 : i32
    return %c0_i32, %c0_i32_0 : i32, i32
  }
  func.func @transform_3(%arg0: i32) -> (i32, i32) {
    %c0_i32 = arith.constant 0 : i32
    %c0_i32_0 = arith.constant 0 : i32
    return %c0_i32, %arg0 : i32, i32
  }
}

module attributes {stable_mosaic.version = 14 : i64} {
  func.func @_table_body(%arg0: memref<7x16xf32, #tpu.memory_space<vmem>>, %arg1: memref<12x16xf32, #tpu.memory_space<vmem>>, %arg2: memref<2x16xf32, #tpu.memory_space<vmem>>, %arg3: memref<16x30xf32, #tpu.memory_space<vmem>>, %arg4: memref<96x5040xf32, #tpu.memory_space<vmem>>, %arg5: memref<160x96xf32, #tpu.memory_space<vmem>>, %arg6: memref<1x96xf32, #tpu.memory_space<vmem>>, %arg7: memref<5040x128xf32, #tpu.memory_space<vmem>>) attributes {dimension_semantics = [], scalar_prefetch = 0 : i64, scratch_operands = 0 : i64, tpu.core_type = #tpu.core_type<tc>} {
    %iota3A = tpu.iota {dimensions = array<i32: 0>} : vector<720x1xi32>
    %get3A = arith.constant 0 : index
    %get3A_0 = arith.constant 0 : index
    %get3A_1 = vector.load %arg0[%get3A, %get3A_0] : memref<7x16xf32, #tpu.memory_space<vmem>>, vector<7x16xf32>
    %get3A_2 = arith.constant 0 : index
    %get3A_3 = arith.constant 0 : index
    %get3A_4 = vector.load %arg5[%get3A_2, %get3A_3] : memref<160x96xf32, #tpu.memory_space<vmem>>, vector<16x96xf32>
    %dot_general3A = arith.constant dense<0.000000e+00> : vector<7x96xf32>
    %dot_general3A_5 = tpu.matmul %get3A_1, %get3A_4, %dot_general3A {dimension_numbers = #tpu.dot_dimension_numbers<[1], [0], [0], [1], [0, 0, 1, 1], [], []>, transpose_lhs_hint = false} : vector<7x16xf32>, vector<16x96xf32>, vector<7x96xf32> -> vector<7x96xf32>
    %get3A_6 = arith.constant 0 : index
    %get3A_7 = arith.constant 0 : index
    %get3A_8 = vector.load %arg1[%get3A_6, %get3A_7] : memref<12x16xf32, #tpu.memory_space<vmem>>, vector<12x16xf32>
    %get3A_9 = arith.constant 16 : index
    %get3A_10 = arith.constant 0 : index
    %get3A_11 = vector.load %arg5[%get3A_9, %get3A_10] : memref<160x96xf32, #tpu.memory_space<vmem>>, vector<16x96xf32>
    %dot_general3A_12 = arith.constant dense<0.000000e+00> : vector<12x96xf32>
    %dot_general3A_13 = tpu.matmul %get3A_8, %get3A_11, %dot_general3A_12 {dimension_numbers = #tpu.dot_dimension_numbers<[1], [0], [0], [1], [0, 0, 1, 1], [], []>, transpose_lhs_hint = false} : vector<12x16xf32>, vector<16x96xf32>, vector<12x96xf32> -> vector<12x96xf32>
    %get3A_14 = arith.constant 0 : index
    %get3A_15 = arith.constant 0 : index
    %get3A_16 = vector.load %arg2[%get3A_14, %get3A_15] : memref<2x16xf32, #tpu.memory_space<vmem>>, vector<2x16xf32>
    %get3A_17 = arith.constant 32 : index
    %get3A_18 = arith.constant 0 : index
    %get3A_19 = vector.load %arg5[%get3A_17, %get3A_18] : memref<160x96xf32, #tpu.memory_space<vmem>>, vector<16x96xf32>
    %dot_general3A_20 = arith.constant dense<0.000000e+00> : vector<2x96xf32>
    %dot_general3A_21 = tpu.matmul %get3A_16, %get3A_19, %dot_general3A_20 {dimension_numbers = #tpu.dot_dimension_numbers<[1], [0], [0], [1], [0, 0, 1, 1], [], []>, transpose_lhs_hint = false} : vector<2x16xf32>, vector<16x96xf32>, vector<2x96xf32> -> vector<2x96xf32>
    %get3A_22 = arith.constant 0 : index
    %get3A_23 = arith.constant 0 : index
    %get3A_24 = vector.load %arg3[%get3A_22, %get3A_23] : memref<16x30xf32, #tpu.memory_space<vmem>>, vector<16x30xf32>
    %get3A_25 = arith.constant 48 : index
    %get3A_26 = arith.constant 0 : index
    %get3A_27 = vector.load %arg5[%get3A_25, %get3A_26] : memref<160x96xf32, #tpu.memory_space<vmem>>, vector<16x96xf32>
    %dot_general3A_28 = arith.constant dense<0.000000e+00> : vector<30x96xf32>
    %dot_general3A_29 = tpu.matmul %get3A_24, %get3A_27, %dot_general3A_28 {dimension_numbers = #tpu.dot_dimension_numbers<[0], [0], [1], [1], [0, 1, 1, 1], [], []>, transpose_lhs_hint = false} : vector<16x30xf32>, vector<16x96xf32>, vector<30x96xf32> -> vector<30x96xf32>
    %jit3A = arith.constant 60 : i32
    %div3A = vector.broadcast %jit3A : i32 to vector<720x1xi32>
    %div3A_30 = arith.divsi %iota3A, %div3A : vector<720x1xi32>
    %sign3A = arith.constant 0 : i32
    %sign3A_31 = vector.broadcast %sign3A : i32 to vector<720x1xi32>
    %sign3A_32 = arith.cmpi sgt, %iota3A, %sign3A_31 : vector<720x1xi32>
    %sign3A_33 = arith.extui %sign3A_32 : vector<720x1xi1> to vector<720x1xi32>
    %sign3A_34 = arith.constant 0 : i32
    %sign3A_35 = vector.broadcast %sign3A_34 : i32 to vector<720x1xi32>
    %sign3A_36 = arith.cmpi slt, %iota3A, %sign3A_35 : vector<720x1xi32>
    %sign3A_37 = arith.extui %sign3A_36 : vector<720x1xi1> to vector<720x1xi32>
    %sign3A_38 = arith.subi %sign3A_33, %sign3A_37 : vector<720x1xi32>
    %sign3A_39 = arith.constant 0 : i32
    %sign3A_40 = arith.cmpi sgt, %jit3A, %sign3A_39 : i32
    %sign3A_41 = arith.extui %sign3A_40 : i1 to i32
    %sign3A_42 = arith.constant 0 : i32
    %sign3A_43 = arith.cmpi slt, %jit3A, %sign3A_42 : i32
    %sign3A_44 = arith.extui %sign3A_43 : i1 to i32
    %sign3A_45 = arith.subi %sign3A_41, %sign3A_44 : i32
    %ne3A = vector.broadcast %sign3A_45 : i32 to vector<720x1xi32>
    %ne3A_46 = arith.cmpi ne, %sign3A_38, %ne3A : vector<720x1xi32>
    %rem3A = vector.broadcast %jit3A : i32 to vector<720x1xi32>
    %rem3A_47 = arith.remsi %iota3A, %rem3A : vector<720x1xi32>
    %ne3A_48 = arith.constant 0 : i32
    %ne3A_49 = vector.broadcast %ne3A_48 : i32 to vector<720x1xi32>
    %ne3A_50 = arith.cmpi ne, %rem3A_47, %ne3A_49 : vector<720x1xi32>
    %and3A = arith.andi %ne3A_46, %ne3A_50 : vector<720x1xi1>
    %sub3A = arith.constant 1 : i32
    %sub3A_51 = vector.broadcast %sub3A : i32 to vector<720x1xi32>
    %sub3A_52 = arith.subi %div3A_30, %sub3A_51 : vector<720x1xi32>
    %select_n3A = arith.select %and3A, %sub3A_52, %div3A_30 : vector<720x1xi1>, vector<720x1xi32>
    %iota3A_53 = tpu.iota {dimensions = array<i32: 1>} : vector<720x12xi32>
    %eq3A = vector.broadcast %select_n3A : vector<720x1xi32> to vector<720x12xi32>
    %eq3A_54 = arith.cmpi eq, %eq3A, %iota3A_53 : vector<720x12xi32>
    %convert_element_type3A = arith.extui %eq3A_54 : vector<720x12xi1> to vector<720x12xi32>
    %convert_element_type3A_55 = arith.sitofp %convert_element_type3A : vector<720x12xi32> to vector<720x12xf32>
    %dot_general3A_56 = arith.constant dense<0.000000e+00> : vector<720x96xf32>
    %dot_general3A_57 = tpu.matmul %convert_element_type3A_55, %dot_general3A_13, %dot_general3A_56 {dimension_numbers = #tpu.dot_dimension_numbers<[1], [0], [0], [1], [0, 0, 1, 1], [], []>, transpose_lhs_hint = false} : vector<720x12xf32>, vector<12x96xf32>, vector<720x96xf32> -> vector<720x96xf32>
    %jit3A_58 = arith.constant 30 : i32
    %div3A_59 = vector.broadcast %jit3A_58 : i32 to vector<720x1xi32>
    %div3A_60 = arith.divsi %iota3A, %div3A_59 : vector<720x1xi32>
    %sign3A_61 = arith.constant 0 : i32
    %sign3A_62 = vector.broadcast %sign3A_61 : i32 to vector<720x1xi32>
    %sign3A_63 = arith.cmpi sgt, %iota3A, %sign3A_62 : vector<720x1xi32>
    %sign3A_64 = arith.extui %sign3A_63 : vector<720x1xi1> to vector<720x1xi32>
    %sign3A_65 = arith.constant 0 : i32
    %sign3A_66 = vector.broadcast %sign3A_65 : i32 to vector<720x1xi32>
    %sign3A_67 = arith.cmpi slt, %iota3A, %sign3A_66 : vector<720x1xi32>
    %sign3A_68 = arith.extui %sign3A_67 : vector<720x1xi1> to vector<720x1xi32>
    %sign3A_69 = arith.subi %sign3A_64, %sign3A_68 : vector<720x1xi32>
    %sign3A_70 = arith.constant 0 : i32
    %sign3A_71 = arith.cmpi sgt, %jit3A_58, %sign3A_70 : i32
    %sign3A_72 = arith.extui %sign3A_71 : i1 to i32
    %sign3A_73 = arith.constant 0 : i32
    %sign3A_74 = arith.cmpi slt, %jit3A_58, %sign3A_73 : i32
    %sign3A_75 = arith.extui %sign3A_74 : i1 to i32
    %sign3A_76 = arith.subi %sign3A_72, %sign3A_75 : i32
    %ne3A_77 = vector.broadcast %sign3A_76 : i32 to vector<720x1xi32>
    %ne3A_78 = arith.cmpi ne, %sign3A_69, %ne3A_77 : vector<720x1xi32>
    %rem3A_79 = vector.broadcast %jit3A_58 : i32 to vector<720x1xi32>
    %rem3A_80 = arith.remsi %iota3A, %rem3A_79 : vector<720x1xi32>
    %ne3A_81 = arith.constant 0 : i32
    %ne3A_82 = vector.broadcast %ne3A_81 : i32 to vector<720x1xi32>
    %ne3A_83 = arith.cmpi ne, %rem3A_80, %ne3A_82 : vector<720x1xi32>
    %and3A_84 = arith.andi %ne3A_78, %ne3A_83 : vector<720x1xi1>
    %sub3A_85 = arith.constant 1 : i32
    %sub3A_86 = vector.broadcast %sub3A_85 : i32 to vector<720x1xi32>
    %sub3A_87 = arith.subi %div3A_60, %sub3A_86 : vector<720x1xi32>
    %select_n3A_88 = arith.select %and3A_84, %sub3A_87, %div3A_60 : vector<720x1xi1>, vector<720x1xi32>
    %jit3A_89 = arith.constant 2 : i32
    %eq3A_90 = arith.constant 0 : i32
    %eq3A_91 = arith.cmpi eq, %jit3A_89, %eq3A_90 : i32
    %jit3A_92 = arith.constant 1 : i32
    %select_n3A_93 = arith.select %eq3A_91, %jit3A_92, %jit3A_89 : i32
    %rem3A_94 = vector.broadcast %select_n3A_93 : i32 to vector<720x1xi32>
    %rem3A_95 = arith.remsi %select_n3A_88, %rem3A_94 : vector<720x1xi32>
    %ne3A_96 = arith.constant 0 : i32
    %ne3A_97 = vector.broadcast %ne3A_96 : i32 to vector<720x1xi32>
    %ne3A_98 = arith.cmpi ne, %rem3A_95, %ne3A_97 : vector<720x1xi32>
    %lt3A = arith.constant 0 : i32
    %lt3A_99 = vector.broadcast %lt3A : i32 to vector<720x1xi32>
    %lt3A_100 = arith.cmpi slt, %rem3A_95, %lt3A_99 : vector<720x1xi32>
    %lt3A_101 = arith.constant 0 : i32
    %lt3A_102 = arith.cmpi slt, %select_n3A_93, %lt3A_101 : i32
    %ne3A_103 = vector.broadcast %lt3A_102 : i1 to vector<720x1xi1>
    %ne3A_104 = vector.broadcast %ne3A_103 : vector<720x1xi1> to vector<720x1xi1>
    %ne3A_105 = arith.xori %lt3A_100, %ne3A_104 : vector<720x1xi1>
    %and3A_106 = arith.andi %ne3A_105, %ne3A_98 : vector<720x1xi1>
    %add3A = vector.broadcast %select_n3A_93 : i32 to vector<720x1xi32>
    %add3A_107 = arith.addi %rem3A_95, %add3A : vector<720x1xi32>
    %select_n3A_108 = arith.select %and3A_106, %add3A_107, %rem3A_95 : vector<720x1xi1>, vector<720x1xi32>
    %iota3A_109 = tpu.iota {dimensions = array<i32: 1>} : vector<720x2xi32>
    %eq3A_110 = vector.broadcast %select_n3A_108 : vector<720x1xi32> to vector<720x2xi32>
    %eq3A_111 = arith.cmpi eq, %eq3A_110, %iota3A_109 : vector<720x2xi32>
    %convert_element_type3A_112 = arith.extui %eq3A_111 : vector<720x2xi1> to vector<720x2xi32>
    %convert_element_type3A_113 = arith.sitofp %convert_element_type3A_112 : vector<720x2xi32> to vector<720x2xf32>
    %dot_general3A_114 = arith.constant dense<0.000000e+00> : vector<720x96xf32>
    %dot_general3A_115 = tpu.matmul %convert_element_type3A_113, %dot_general3A_21, %dot_general3A_114 {dimension_numbers = #tpu.dot_dimension_numbers<[1], [0], [0], [1], [0, 0, 1, 1], [], []>, transpose_lhs_hint = false} : vector<720x2xf32>, vector<2x96xf32>, vector<720x96xf32> -> vector<720x96xf32>
    %add3A_116 = arith.addf %dot_general3A_57, %dot_general3A_115 : vector<720x96xf32>
    %jit3A_117 = arith.constant 30 : i32
    %eq3A_118 = arith.constant 0 : i32
    %eq3A_119 = arith.cmpi eq, %jit3A_117, %eq3A_118 : i32
    %jit3A_120 = arith.constant 1 : i32
    %select_n3A_121 = arith.select %eq3A_119, %jit3A_120, %jit3A_117 : i32
    %rem3A_122 = vector.broadcast %select_n3A_121 : i32 to vector<720x1xi32>
    %rem3A_123 = arith.remsi %iota3A, %rem3A_122 : vector<720x1xi32>
    %ne3A_124 = arith.constant 0 : i32
    %ne3A_125 = vector.broadcast %ne3A_124 : i32 to vector<720x1xi32>
    %ne3A_126 = arith.cmpi ne, %rem3A_123, %ne3A_125 : vector<720x1xi32>
    %lt3A_127 = arith.constant 0 : i32
    %lt3A_128 = vector.broadcast %lt3A_127 : i32 to vector<720x1xi32>
    %lt3A_129 = arith.cmpi slt, %rem3A_123, %lt3A_128 : vector<720x1xi32>
    %lt3A_130 = arith.constant 0 : i32
    %lt3A_131 = arith.cmpi slt, %select_n3A_121, %lt3A_130 : i32
    %ne3A_132 = vector.broadcast %lt3A_131 : i1 to vector<720x1xi1>
    %ne3A_133 = vector.broadcast %ne3A_132 : vector<720x1xi1> to vector<720x1xi1>
    %ne3A_134 = arith.xori %lt3A_129, %ne3A_133 : vector<720x1xi1>
    %and3A_135 = arith.andi %ne3A_134, %ne3A_126 : vector<720x1xi1>
    %add3A_136 = vector.broadcast %select_n3A_121 : i32 to vector<720x1xi32>
    %add3A_137 = arith.addi %rem3A_123, %add3A_136 : vector<720x1xi32>
    %select_n3A_138 = arith.select %and3A_135, %add3A_137, %rem3A_123 : vector<720x1xi1>, vector<720x1xi32>
    %iota3A_139 = tpu.iota {dimensions = array<i32: 1>} : vector<720x30xi32>
    %eq3A_140 = vector.broadcast %select_n3A_138 : vector<720x1xi32> to vector<720x30xi32>
    %eq3A_141 = arith.cmpi eq, %eq3A_140, %iota3A_139 : vector<720x30xi32>
    %convert_element_type3A_142 = arith.extui %eq3A_141 : vector<720x30xi1> to vector<720x30xi32>
    %convert_element_type3A_143 = arith.sitofp %convert_element_type3A_142 : vector<720x30xi32> to vector<720x30xf32>
    %dot_general3A_144 = arith.constant dense<0.000000e+00> : vector<720x96xf32>
    %dot_general3A_145 = tpu.matmul %convert_element_type3A_143, %dot_general3A_29, %dot_general3A_144 {dimension_numbers = #tpu.dot_dimension_numbers<[1], [0], [0], [1], [0, 0, 1, 1], [], []>, transpose_lhs_hint = false} : vector<720x30xf32>, vector<30x96xf32>, vector<720x96xf32> -> vector<720x96xf32>
    %add3A_146 = arith.addf %add3A_116, %dot_general3A_145 : vector<720x96xf32>
    %get3A_147 = arith.constant 0 : index
    %get3A_148 = arith.constant 0 : index
    %get3A_149 = vector.load %arg6[%get3A_147, %get3A_148] : memref<1x96xf32, #tpu.memory_space<vmem>>, vector<1x96xf32>
    %add3A_150 = vector.broadcast %get3A_149 : vector<1x96xf32> to vector<720x96xf32>
    %add3A_151 = arith.addf %add3A_146, %add3A_150 : vector<720x96xf32>
    %reshape3A = vector.shape_cast %dot_general3A_5 : vector<7x96xf32> to vector<7x1x96xf32>
    %reshape3A_152 = vector.shape_cast %add3A_151 : vector<720x96xf32> to vector<1x720x96xf32>
    %add3A_153 = vector.broadcast %reshape3A : vector<7x1x96xf32> to vector<7x720x96xf32>
    %add3A_154 = vector.broadcast %reshape3A_152 : vector<1x720x96xf32> to vector<7x720x96xf32>
    %add3A_155 = arith.addf %add3A_153, %add3A_154 : vector<7x720x96xf32>
    %reshape3A_156 = vector.shape_cast %add3A_155 : vector<7x720x96xf32> to vector<5040x96xf32>
    %get3A_157 = arith.constant 0 : index
    %get3A_158 = arith.constant 0 : index
    %get3A_159 = vector.load %arg4[%get3A_157, %get3A_158] : memref<96x5040xf32, #tpu.memory_space<vmem>>, vector<96x5040xf32>
    %get3A_160 = arith.constant 64 : index
    %get3A_161 = arith.constant 0 : index
    %get3A_162 = vector.load %arg5[%get3A_160, %get3A_161] : memref<160x96xf32, #tpu.memory_space<vmem>>, vector<96x96xf32>
    %dot_general3A_163 = arith.constant dense<0.000000e+00> : vector<5040x96xf32>
    %dot_general3A_164 = tpu.matmul %get3A_159, %get3A_162, %dot_general3A_163 {dimension_numbers = #tpu.dot_dimension_numbers<[0], [0], [1], [1], [0, 1, 1, 1], [], []>, transpose_lhs_hint = false} : vector<96x5040xf32>, vector<96x96xf32>, vector<5040x96xf32> -> vector<5040x96xf32>
    %add3A_165 = arith.addf %dot_general3A_164, %reshape3A_156 : vector<5040x96xf32>
    %swap3A = arith.constant 0 : index
    %swap3A_166 = arith.constant 0 : index
    %swap3A_167 = vector.load %arg7[%swap3A, %swap3A_166] : memref<5040x128xf32, #tpu.memory_space<vmem>>, vector<5040x96xf32>
    tpu.vector_store %arg7[%swap3A, %swap3A_166], %add3A_165 {strides = array<i32>} : memref<5040x128xf32, #tpu.memory_space<vmem>>, vector<5040x96xf32>,
    return
  }
}

</mosaic_0001>

<sc_bundles>
// kernel: kernel.5.cloned.1.call-start
scs
__scs_entry_jumppad:
0x0: {  	(pc) =	sbr.rel $0x88, $3  }
0x1: {  	(tag) =	ssettag $0x0;
	lr =	simm.s32 $0x1  }
0x2: {  	[smem:$0x3F94] =	sst lr;
	_ =	strace $0xD0000000  }
0x3: {  	_ = 	snop  }
0x4: {  	_ = 	snop  }
0x5: {  	_ = 	snop  }
0x6: {  	_ = 	snop  }
0x7: {  	_ = 	snop  }
__scs_overlays_trampoline_lowered:
0x8: {  	[smem:$0x3FA3] =	sst s0  }
0x9: {  	[smem:$0x3FA4] =	sst s1  }
0xa: {  	[smem:$0x3FA5] =	sst s2  }
0xb: {  	[smem:$0x3FA6] =	sst s3  }
0xc: {  	[smem:$0x3FA7] =	sst s4  }
0xd: {  	[smem:$0x3FA8] =	sst s5  }
0xe: {  	[smem:$0x3FA9] =	sst s6  }
0xf: {  	[smem:$0x3FAA] =	sst s7  }
0x10: {  	[smem:$0x3FAB] =	sst s8  }
0x11: {  	[smem:$0x3FAC] =	sst s9;
	s0 =	simm.s32 @!p0 $0x0  }
0x12: {  	s1 =	sld [smem:$0x3F92];
	s0 =	simm.s32 @p0 $0x1  }
0x13: {  	[smem:$0x3FAD] =	sst s0;
	s0 =	simm.s32 @!p1 $0x0  }
0x14: {  	s2 =	sld [smem:$0x3F91];
	s0 =	simm.s32 @p1 $0x1  }
0x15: {  	[smem:$0x3FAE] =	sst s0;
	s0 =	simm.s32 @!p2 $0x0  }
0x16: {  	s3 =	sld [smem:$0x3FDB];
	s0 =	simm.s32 @p2 $0x1  }
0x17: {  	s4 =	simm.s32 $0x1BF5;
	[smem:$0x3FB0] =	sst s0  }
0x18: {  	s0 =	sld [smem:$0x3F93];
	_ =	swait.ge [sflag:s4], $0x0  }
0x19: {  	s7 =	sld [smem:$0x3F94]  }
0x1a: {  	s8 =	sadd.s32 $0xFFFFE003, lr  }
0x1b: {  	s9 =	sadd.s32 $0xFFFFFEF7, lr;
	s5 =	simm.s32 $0xFFFFFFFF;
	p2 =	slt.u32 s8, $0xFFFFF086  }
0x1c: {  	p1 =	slt.u32 s9, $0xF7A;
	s5 =	simm.s32 @!p2 $0x0  }
0x1d: {  	s5 =	simm.s32 @p1 $0x1;
	p0 =	seq.s32 s7, s2  }
0x1e: {  	s7 =	smul.u32 @!p0 $0xF7A, s2;
	p2 =	seq.s32 @!p0 s5, $0x0  }
0x1f: {  	s9 =	smul.u32 $0xF7A, s1;
	s8 =	simm.s32 @!p0 $0x1BF5;
	p2 =	por !p2, p0  }
0x20: {  	[sflag:s8] =	ssyncset.s32 @!p0 $0xFFFFF086;
	s6 =	sadd.s32 @!p0 s3, s7;
	s7 =	simm.s32 @!p0 $0x108  }
0x21: {  	s3 =	sadd.s32 s3, s9;
	s6 =	sadd.s32 @!p0 $0x88, s6;
	s7 =	simm.s32 @p2 $0x1082  }
0x22: {  	[simem:s7], [sflag:s8] =	dma.local @!p0 [hbm:s6], $0xF7A  }
0x23: {  	s9 =	sor.u32 $0xD0000000, s2;
	s6 =	simm.s32 $0x108;
	_ =	swait.ge @!p0 [sflag:s8], $0x0  }
0x24: {  	s3 =	sadd.s32 $0x88, s3;
	s6 =	simm.s32 @!p1 $0x1082;
	[sflag:s4] =	ssyncset.s32 $0xFFFFF086  }
0x25: {  	[simem:s6], [sflag:s4] =	dma.local [hbm:s3], $0xF7A  }
0x26: {  	[smem:$0x3F94] =	sst s1;
	(tag) =	ssettag s2;
	_ =	strace s9  }
0x27: {  	s1 =	sld [smem:$0x3FA4]  }
0x28: {  	s2 =	sld [smem:$0x3FA5]  }
0x29: {  	s4 =	sld [smem:$0x3FA7]  }
0x2a: {  	p0 =	seq.s32 s5, $0x0;
	s5 =	sld [smem:$0x3FA8]  }
0x2b: {  	s6 =	sld [smem:$0x3FA9]  }
0x2c: {  	s7 =	sld [smem:$0x3FAA]  }
0x2d: {  	s3 =	simm.s32 $0x108;
	s8 =	sld [smem:$0x3FAB]  }
0x2e: {  	s3 =	simm.s32 @!p0 $0x1082;
	s9 =	sld [smem:$0x3FAC]  }
0x2f: {  	lr =	sadd.s32 s0, s3;
	s0 =	sld [smem:$0x3FA3]  }
0x30: {  	s3 =	sld [smem:$0x3FA6]  }
0x31: {  	[smem:$0x3FAF] =	sst s10  }
0x32: {  	s10 =	sld [smem:$0x3FAD];
	_ =	sdelay $0x3  }
0x33: {  	p0 =	seq.s32 s10, $0x1;
	s10 =	sld [smem:$0x3FAF];
	_ =	sdelay $0x3  }
0x34: {  	[smem:$0x3FAF] =	sst s10  }
0x35: {  	s10 =	sld [smem:$0x3FAE];
	_ =	sdelay $0x3  }
0x36: {  	p1 =	seq.s32 s10, $0x1;
	s10 =	sld [smem:$0x3FAF];
	_ =	sdelay $0x3  }
0x37: {  	[smem:$0x3FAF] =	sst s10  }
0x38: {  	s10 =	sld [smem:$0x3FB0]  }
0x39: {  	_ = 	snop;
	(pc) =	sbr.ind lr, $3  }
0x3a: {  	_ = 	snop  }
0x3b: {  	_ = 	snop  }
0x3c: {  	p2 =	seq.s32 s10, $0x1;
	s10 =	sld [smem:$0x3FAF]  }
0x3d: {  	_ =	shalt  }
0x3e: {  	_ =	shalt  }
0x3f: {  	_ =	shalt  }
0x40: {  	_ =	shalt  }
0x41: {  	_ =	shalt  }
0x42: {  	_ =	shalt  }
0x43: {  	_ =	shalt  }
0x44: {  	_ =	shalt  }
0x45: {  	_ =	shalt  }
0x46: {  	_ =	shalt  }
0x47: {  	_ =	shalt  }
0x48: {  	_ =	shalt  }
0x49: {  	_ =	shalt  }
0x4a: {  	_ =	shalt  }
0x4b: {  	_ =	shalt  }
0x4c: {  	_ =	shalt  }
0x4d: {  	_ =	shalt  }
0x4e: {  	_ =	shalt  }
0x4f: {  	_ =	shalt  }
0x50: {  	_ =	shalt  }
0x51: {  	_ =	shalt  }
0x52: {  	_ =	shalt  }
0x53: {  	_ =	shalt  }
0x54: {  	_ =	shalt  }
0x55: {  	_ =	shalt  }
0x56: {  	_ =	shalt  }
0x57: {  	_ =	shalt  }
0x58: {  	_ =	shalt  }
0x59: {  	_ =	shalt  }
0x5a: {  	_ =	shalt  }
0x5b: {  	_ =	shalt  }
0x5c: {  	_ =	shalt  }
0x5d: {  	_ =	shalt  }
0x5e: {  	_ =	shalt  }
0x5f: {  	_ =	shalt  }
0x60: {  	_ =	shalt  }
0x61: {  	_ =	shalt  }
0x62: {  	_ =	shalt  }
0x63: {  	_ =	shalt  }
0x64: {  	_ =	shalt  }
0x65: {  	_ =	shalt  }
0x66: {  	_ =	shalt  }
0x67: {  	_ =	shalt  }
0x68: {  	_ =	shalt  }
0x69: {  	_ =	shalt  }
0x6a: {  	_ =	shalt  }
0x6b: {  	_ =	shalt  }
0x6c: {  	_ =	shalt  }
0x6d: {  	_ =	shalt  }
0x6e: {  	_ =	shalt  }
0x6f: {  	_ =	shalt  }
0x70: {  	_ =	shalt  }
0x71: {  	_ =	shalt  }
0x72: {  	_ =	shalt  }
0x73: {  	_ =	shalt  }
0x74: {  	_ =	shalt  }
0x75: {  	_ =	shalt  }
0x76: {  	_ =	shalt  }
0x77: {  	_ =	shalt  }
0x78: {  	_ =	shalt  }
0x79: {  	_ =	shalt  }
0x7a: {  	_ =	shalt  }
0x7b: {  	_ =	shalt  }
0x7c: {  	_ =	shalt  }
0x7d: {  	_ =	shalt  }
0x7e: {  	_ =	shalt  }
0x7f: {  	_ =	shalt  }
0x80: {  	_ =	shalt  }
0x81: {  	_ =	shalt  }
0x82: {  	_ =	shalt  }
0x83: {  	_ =	shalt  }
0x84: {  	_ =	shalt  }
0x85: {  	_ =	shalt  }
0x86: {  	_ =	shalt  }
0x87: {  	_ =	shalt  }
.Lfunc_end0:
.L_simem_size_0:
called_computation_lowered:
.L_overlay_start_0:
0x88: {  	s2 =	sld [smem:$0x3FD9]  }
0x89: {  	s3 =	sld [smem:$0x3FFE];
	_ =	sdelay $0x1  }
0x8a: {  	s1 =	srdreg.scid  }
0x8b: {  	s0 =	sand.u32 $0x1, s1  }
0x8c: {  	s17 =	sshll.u32 s0, $0xA;
	s2 =	sadd.s32 s3, s2  }
0x8d: {  	s2 =	sadd.s32 s2, s17  }
0x8e: {  	[smem:$0x3FBB] =	sst s2  }
0x8f: {  	_ = 	snop  }
0x90: {  	s2 =	sld [smem:$0x3FC9]  }
0x91: {  	s18 =	sld [smem:$0x3FC8]  }
0x92: {  	s4 =	sld [smem:$0x3FC7]  }
0x93: {  	s5 =	sld [smem:$0x3FC6]  }
0x94: {  	s6 =	sld [smem:$0x3FD0];
	(tm) =	ssettm $0x1  }
0x95: {  	s7 =	sld [smem:$0x3FFB];
	_ =	sdelay $0x3  }
0x96: {  	_ =	strace s7  }
0x97: {  	s7 =	sld [smem:$0x3FFC];
	_ =	sdelay $0x3  }
0x98: {  	_ =	strace s7  }
0x99: {  	s7 =	sld [smem:$0x3FFD];
	_ =	sdelay $0x3  }
0x9a: {  	_ =	strace s7  }
0x9b: {  	_ =	strace $0x8FFFFFFF  }
0x9c: {  	s19 =	sld [smem:$0x3FDB];
	_ =	sdelay $0x1  }
0x9d: {  	s8 =	simm.s32 $_scs_section_size  }
0x9e: {  	s9 =	simm.s32 $_size__tile_overlayer_lowered;
	s10 =	simm.s32 $_tile_overlayer_lowered  }
0x9f: {  	s22 =	simm.s32 $0x1BFF;
	s21 =	sshll.u32 s10, $0x1;
	s7 =	sadd.s32 s8, s19  }
0xa0: {  	s11 =	simm.s32 $0x0;
	s20 =	sshll.u32 s9, $0x1;
	s9 =	sadd.s32 s21, s7  }
0xa1: {  	[timem:s11], [sflag:s22] =	dma.local [hbm:s9], s20  }
0xa2: {  	_ =	swait.ge [sflag:s22], s20  }
0xa3: {  	s8 =	ssub.s32 $0x0, s20;
	[sflag:s22] =	ssyncset.done $0x0  }
0xa4: {  	[sflag:s22] =	ssyncadd.s32 s8;
	_ =	sdelay $0x1  }
0xa5: {  	s23 =	simm.s32 $0x1B8B  }
0xa6: {  	_ =	swait.ge [sflag:s23], $0x1  }
0xa7: {  	[sflag:s23] =	ssyncset.done $0x0  }
0xa8: {  	s25 =	simm.s32 $0x1B8E;
	s24 =	sld [smem:$0x3FFE];
	[sflag:s23] =	ssyncadd.s32 $0xFFFFFFFF  }
0xa9: {  	s26 =	simm.s32 $execute0_lowered;
	[smem:$0x3FD2] =	sst s25  }
0xaa: {  	s9 =	sshll.u32 s26, $0x1;
	_ =	strace $0x80000046;
	[dreg:$0x1] =	wrdreg $0xFFFFFFFF  }
0xab: {  	s28 =	simm.s32 $_size_execute0_lowered;
	s7 =	sadd.s32 s7, s9;
	[dreg:$0x0] =	wrdreg $0x0  }
0xac: {  	s9 =	sshll.u32 s28, $0x1;
	[dreg:$0x2] =	wrdreg s7  }
0xad: {  	[dreg:$0x3] =	wrdreg s9  }
0xae: {  	[dreg:$0x4] =	wrdreg $0xC0  }
0xaf: {  	_ =	task [dreg:s11], $0x5FFFF  }
0xb0: {  	[dreg:$0x1] =	wrdreg $0xFFFFFFFF  }
0xb1: {  	[dreg:$0x0] =	wrdreg $0x60  }
0xb2: {  	[dreg:$0x2] =	wrdreg s6  }
0xb3: {  	[dreg:$0x3] =	wrdreg s2  }
0xb4: {  	[dreg:$0x4] =	wrdreg s18  }
0xb5: {  	[dreg:$0x5] =	wrdreg s4  }
0xb6: {  	[dreg:$0x6] =	wrdreg s5  }
0xb7: {  	[dreg:$0x7] =	wrdreg s24  }
0xb8: {  	[dreg:$0x8] =	wrdreg $0x9  }
0xb9: {  	_ =	task.clear_ibuf [dreg:s11], $0x9FFFF;
	_ =	strace $0x90000046  }
0xba: {  	s29 =	simm.s32 $0x9;
	_ =	strace $0x80000048  }
0xbb: {  	_ =	swait.ge [sflag:s29], $0x1  }
0xbc: {  	[sflag:s29] =	ssyncadd.s32 $0xFFFFFFFF  }
0xbd: {  	_ =	strace $0x90000048  }
0xbe: {  	_ =	sfence  }
0xbf: {  	s30 =	sld [smem:$0x0];
	_ =	sdelay $0x2  }
0xc0: {  	s31 =	sshll.u32 s1, $0xD;
	s1 =	sshrl.u32 s1, $0x2  }
0xc1: {  	s3 =	sand.u32 $0x4000, s31;
	s1 =	sadd.s32 s1, s30  }
0xc2: {  	s0 =	sor.u32 s3, s0;
	s1 =	sshll.u32 s1, $0x11  }
0xc3: {  	s0 =	sor.u32 s1, s0  }
0xc4: {  	s0 =	sadd.s32 $0x8F2B, s0  }
0xc5: {  	[sflag:s0] =	ssyncadd.remote.s32 $0x1  }
0xc6: {  	_ =	sfence.sel $0xFFFF  }
0xc7: {  	[dreg:$0x0] =	wrdreg $0xFFFFFFFF;
	(pc) =	sbr.abs _section_cstart, $3  }
0xc8: {  	[dreg:$0x1] =	wrdreg $0xFFFFFFFF  }
0xc9: {  	_ =	task.clear_ibuf [dreg:s11], $0x2FFFF;
	_ =	strace $0x9FFFFFFF  }
0xca: {  	(tm) =	ssettm $0x7FFFFFFF  }
0xcb: {  	_ =	shalt  }
tec
execute0_lowered:
.L_overlay_start_1:
0x0: {  	(tag) =	ssettag $0x1  }
0x1: {  	s1 =	rddreg [dreg:$0x0]  }
0x2: {  	s4 =	rddreg [dreg:$0x1]  }
0x3: {  	s5 =	rddreg [dreg:$0x2]  }
0x4: {  	s6 =	rddreg [dreg:$0x3]  }
0x5: {  	s7 =	rddreg [dreg:$0x4]  }
0x6: {  	s8 =	rddreg [dreg:$0x5]  }
0x7: {  	s0 =	rddreg [dreg:$0x6];
	s9 =	srdreg.scid  }
0x8: {  	s3 =	simm.s32 $0x0;
	s2 =	stileid.u32;
	s13 =	simm.s32 $0x10600  }
0x9: {  	s14 =	simm.s32 $0x10800;
	s15 =	simm.s32 $0x200;
	s9 =	sand.u32 $0x1, s9  }
0xa: {  	s16 =	simm.s32 $0x1;
	s10 =	sshll.u32 s2, $0xA;
	s11 =	sshll.u32 s9, $0x9  }
0xb: {  	[smem:$0x7FF] =	sst s3;
	s9 =	ssub.s32 $0x2, s9;
	s10 =	sor.u32 s11, s10  }
0xc: {  	_ =	strace $0x80000047;
	s12 =	sshrl.u32 s9, $0x1;
	s11 =	sshll.u32 s10, $0x4  }
0xd: {  	s10 =	sshrl.u32 s10, $0x3;
	s9 =	ssub.s32 s9, s12;
	s12 =	simm.s32 $0x10400  }
0xe: {  	s8 =	sadd.s32 s11, s8;
	s4 =	sadd.s32 s4, s10;
	s5 =	sadd.s32 s5, s10  }
0xf: {  	s6 =	sadd.s32 s6, s10;
	s7 =	sadd.s32 s7, s10;
	s9 =	smax.u32 s9, $0x1  }
0x10: {  	s10 =	simm.s32 $0x10200;
	s11 =	simm.s32 $0x2;
	s8 =	sadd.s32 $0x1A00, s8  }
.LBB2_1:
0x11: {  	[tilespmem:s10], [sflag:$0x2] =	stream.linear.gather [hbm4b:s4+s3], $0x200, $0x38;
	[tilespmem:$0x10A00] =	vst v63  }
0x12: {  	_ =	swait.ge [sflag:s11], $0x200  }
0x13: {  	[sflag:s11] =	ssyncset.done $0x0  }
0x14: {  	[sflag:s11] =	ssyncadd.s32 $0xFFFFFE00  }
0x15: {  	[tilespmem:s12], [sflag:$0x2] =	stream.linear.gather [hbm4b:s5+s3], $0x200, $0x38;
	[tilespmem:$0x10A00] =	vst v63  }
0x16: {  	_ =	swait.ge [sflag:s11], $0x200  }
0x17: {  	[sflag:s11] =	ssyncset.done $0x0  }
0x18: {  	[sflag:s11] =	ssyncadd.s32 $0xFFFFFE00  }
0x19: {  	[tilespmem:s13], [sflag:$0x2] =	stream.linear.gather [hbm4b:s6+s3], $0x200, $0x38;
	[tilespmem:$0x10A00] =	vst v63  }
0x1a: {  	_ =	swait.ge [sflag:s11], $0x200  }
0x1b: {  	[sflag:s11] =	ssyncset.done $0x0  }
0x1c: {  	[sflag:s11] =	ssyncadd.s32 $0xFFFFFE00  }
0x1d: {  	[tilespmem:s14], [sflag:$0x2] =	stream.linear.gather [hbm4b:s7+s3], $0x200, $0x38;
	[tilespmem:$0x10A00] =	vst v63  }
0x1e: {  	_ =	swait.ge [sflag:s11], $0x200  }
0x1f: {  	[sflag:s11] =	ssyncset.done $0x0  }
0x20: {  	[sflag:s11] =	ssyncadd.s32 $0xFFFFFE00  }
0x21: {  	v1 =	vld [tilespmem:$0x10200]  }
0x22: {  	v3 =	vld [tilespmem:$0x10400]  }
0x23: {  	v4 =	vld [tilespmem:$0x10600]  }
0x24: {  	v8 =	vld [tilespmem:$0x10800]  }
0x25: {  	v7 =	vld [tilespmem:$0x10210]  }
0x26: {  	v9 =	vld [tilespmem:$0x10410]  }
0x27: {  	v10 =	vld [tilespmem:$0x10610]  }
0x28: {  	v11 =	vld [tilespmem:$0x10810]  }
0x29: {  	v12 =	vld [tilespmem:$0x10220]  }
0x2a: {  	v13 =	vld [tilespmem:$0x10420]  }
0x2b: {  	v14 =	vld [tilespmem:$0x10620]  }
0x2c: {  	v15 =	vld [tilespmem:$0x10820]  }
0x2d: {  	v16 =	vld [tilespmem:$0x10230]  }
0x2e: {  	v17 =	vld [tilespmem:$0x10430]  }
0x2f: {  	v18 =	vld [tilespmem:$0x10630]  }
0x30: {  	v19 =	vld [tilespmem:$0x10830]  }
0x31: {  	v20 =	vld [tilespmem:$0x10240]  }
0x32: {  	v21 =	vld [tilespmem:$0x10440]  }
0x33: {  	v22 =	vld [tilespmem:$0x10640]  }
0x34: {  	v23 =	vld [tilespmem:$0x10840]  }
0x35: {  	v24 =	vld [tilespmem:$0x10250]  }
0x36: {  	v25 =	vld [tilespmem:$0x10450]  }
0x37: {  	v26 =	vld [tilespmem:$0x10650]  }
0x38: {  	v27 =	vld [tilespmem:$0x10850]  }
0x39: {  	v28 =	vld [tilespmem:$0x10260]  }
0x3a: {  	v29 =	vld [tilespmem:$0x10460]  }
0x3b: {  	v30 =	vld [tilespmem:$0x10660]  }
0x3c: {  	v31 =	vld [tilespmem:$0x10860]  }
0x3d: {  	v32 =	vld [tilespmem:$0x10270]  }
0x3e: {  	v33 =	vld [tilespmem:$0x10470]  }
0x3f: {  	v34 =	vld [tilespmem:$0x10670]  }
0x40: {  	v35 =	vld [tilespmem:$0x10870]  }
0x41: {  	v36 =	vld [tilespmem:$0x10280]  }
0x42: {  	v37 =	vld [tilespmem:$0x10480]  }
0x43: {  	v38 =	vld [tilespmem:$0x10680]  }
0x44: {  	v39 =	vld [tilespmem:$0x10880]  }
0x45: {  	v40 =	vld [tilespmem:$0x10290]  }
0x46: {  	v41 =	vld [tilespmem:$0x10490]  }
0x47: {  	v42 =	vld [tilespmem:$0x10690]  }
0x48: {  	v43 =	vld [tilespmem:$0x10890]  }
0x49: {  	v44 =	vld [tilespmem:$0x102A0]  }
0x4a: {  	v45 =	vld [tilespmem:$0x104A0]  }
0x4b: {  	v46 =	vld [tilespmem:$0x106A0]  }
0x4c: {  	v47 =	vld [tilespmem:$0x108A0]  }
0x4d: {  	v48 =	vld [tilespmem:$0x102B0]  }
0x4e: {  	v49 =	vld [tilespmem:$0x104B0]  }
0x4f: {  	v50 =	vld [tilespmem:$0x106B0]  }
0x50: {  	v51 =	vld [tilespmem:$0x108B0]  }
0x51: {  	v52 =	vld [tilespmem:$0x102C0]  }
0x52: {  	v53 =	vld [tilespmem:$0x104C0]  }
0x53: {  	v54 =	vld [tilespmem:$0x106C0]  }
0x54: {  	v6 =	vld [tilespmem:$0x108C0]  }
0x55: {  	v55 =	vld [tilespmem:$0x102D0]  }
0x56: {  	v56 =	vld [tilespmem:$0x104D0]  }
0x57: {  	v57 =	vld [tilespmem:$0x106D0]  }
0x58: {  	v58 =	vld [tilespmem:$0x108D0]  }
0x59: {  	v59 =	vld [tilespmem:$0x102E0]  }
0x5a: {  	v60 =	vld [tilespmem:$0x104E0]  }
0x5b: {  	v61 =	vld [tilespmem:$0x106E0]  }
0x5c: {  	v5 =	vld [tilespmem:$0x106F0]  }
0x5d: {  	v0 =	vld [tilespmem:$0x108E0]  }
0x5e: {  	v62 =	vld [tilespmem:$0x102F0]  }
0x5f: {  	v63 =	vld [tilespmem:$0x104F0]  }
0x60: {  	v2 =	vld [tilespmem:$0x10500]  }
0x61: {  	[tilespmem:$0x1FFD0] =	vst v5;
	v5 =	vld [tilespmem:$0x108F0];
	v1 =	vmul.u32 $0xC, v1;
	v7 =	vmul.u32 $0xC, v7  }
0x62: {  	[tilespmem:$0x1FFE0] =	vst v0;
	v0 =	vld [tilespmem:$0x10300]  }
0x63: {  	v1 =	vadd.s32 v3, v1;
	v7 =	vadd.s32 v9, v7;
	v3 =	vld [tilespmem:$0x10900]  }
0x64: {  	v9 =	vld [tilespmem:$0x10310];
	v1 =	vshll.u32 v1, $0x1;
	v7 =	vshll.u32 v7, $0x1  }
0x65: {  	v1 =	vadd.s32 v4, v1;
	v4 =	vadd.s32 v10, v7;
	v10 =	vmul.u32 $0xC, v12;
	v12 =	vld [tilespmem:$0x10510]  }
0x66: {  	v7 =	vld [tilespmem:$0x10710]  }
0x67: {  	[tilespmem:$0x1FFF0] =	vst v5;
	v5 =	vld [tilespmem:$0x10700];
	v1 =	vmul.u32 $0x1E, v1  }
0x68: {  	v16 =	vmul.u32 $0xC, v16;
	v0 =	vmul.u32 $0xC, v0;
	v13 =	vadd.s32 v13, v10;
	v10 =	vld [tilespmem:$0x10910]  }
0x69: {  	v4 =	vmul.u32 $0x1E, v4;
	v1 =	vadd.s32 v8, v1;
	v8 =	vshll.u32 v13, $0x1;
	v13 =	vld [tilespmem:$0x10320]  }
0x6a: {  	v20 =	vmul.u32 $0xC, v20;
	v0 =	vadd.s32 v2, v0;
	v2 =	vld [tilespmem:$0x10580]  }
0x6b: {  	v11 =	vadd.s32 v11, v4;
	v4 =	vadd.s32 v14, v8;
	v8 =	vadd.s32 v17, v16;
	v16 =	vld [tilespmem:$0x10520]  }
0x6c: {  	v24 =	vmul.u32 $0xC, v24;
	v14 =	vld [tilespmem:$0x10720]  }
0x6d: {  	v21 =	vadd.s32 v21, v20;
	v17 =	vmul.u32 $0x1E, v4;
	v20 =	vshll.u32 v8, $0x1;
	v4 =	vld [tilespmem:$0x10920]  }
0x6e: {  	v21 =	vshll.u32 v21, $0x1;
	v18 =	vadd.s32 v18, v20;
	v20 =	vadd.s32 v25, v24;
	v24 =	vld [tilespmem:$0x10530]  }
0x6f: {  	v8 =	vadd.s32 v22, v21;
	v21 =	vmul.u32 $0xC, v28;
	v25 =	vld [tilespmem:$0x10340]  }
0x70: {  	v28 =	vmul.u32 $0xC, v32;
	v15 =	vadd.s32 v15, v17;
	v17 =	vmul.u32 $0x1E, v18;
	v18 =	vld [tilespmem:$0x10330]  }
0x71: {  	v32 =	vshll.u32 v20, $0x1;
	v20 =	vld [tilespmem:$0x10730]  }
0x72: {  	v36 =	vmul.u32 $0xC, v36;
	v22 =	vadd.s32 v33, v28;
	v28 =	vld [tilespmem:$0x10540]  }
0x73: {  	v40 =	vmul.u32 $0xC, v40;
	v0 =	vshll.u32 v0, $0x1;
	v21 =	vadd.s32 v29, v21;
	v29 =	vld [tilespmem:$0x10740]  }
0x74: {  	v44 =	vmul.u32 $0xC, v44;
	v8 =	vmul.u32 $0x1E, v8;
	v0 =	vadd.s32 v5, v0;
	v33 =	vld [tilespmem:$0x10550]  }
0x75: {  	v48 =	vmul.u32 $0xC, v48;
	v0 =	vmul.u32 $0x1E, v0;
	v21 =	vshll.u32 v21, $0x1;
	[tilespmem:$0x20] =	vst v15;
	v15 =	vld [tilespmem:$0x105A0]  }
0x76: {  	v22 =	vshll.u32 v22, $0x1;
	v17 =	vadd.s32 v19, v17;
	v19 =	vadd.s32 v23, v8;
	v23 =	vld [tilespmem:$0x10930]  }
0x77: {  	v8 =	vadd.s32 v26, v32;
	v21 =	vadd.s32 v30, v21;
	v22 =	vadd.s32 v34, v22;
	v34 =	vld [tilespmem:$0x10750]  }
0x78: {  	v26 =	vadd.s32 v37, v36;
	v30 =	vadd.s32 v41, v40;
	v32 =	vadd.s32 v45, v44;
	v36 =	vld [tilespmem:$0x10950]  }
0x79: {  	v37 =	vld [tilespmem:$0x10360];
	v0 =	vadd.s32 v3, v0;
	v8 =	vmul.u32 $0x1E, v8;
	v21 =	vmul.u32 $0x1E, v21  }
0x7a: {  	v40 =	vld [tilespmem:$0x10560];
	v22 =	vmul.u32 $0x1E, v22;
	v26 =	vshll.u32 v26, $0x1;
	v30 =	vshll.u32 v30, $0x1  }
0x7b: {  	v41 =	vld [tilespmem:$0x10760];
	v32 =	vshll.u32 v32, $0x1;
	v26 =	vadd.s32 v38, v26;
	v30 =	vadd.s32 v42, v30  }
0x7c: {  	v45 =	vld [tilespmem:$0x10570];
	v32 =	vadd.s32 v46, v32;
	v27 =	vadd.s32 v27, v8;
	v21 =	vadd.s32 v31, v21  }
0x7d: {  	v42 =	vld [tilespmem:$0x10960];
	v22 =	vadd.s32 v35, v22;
	v26 =	vmul.u32 $0x1E, v26;
	v30 =	vmul.u32 $0x1E, v30  }
0x7e: {  	v46 =	vld [tilespmem:$0x10770];
	v32 =	vmul.u32 $0x1E, v32;
	v35 =	vadd.s32 v49, v48;
	v49 =	vmul.u32 $0xC, v52  }
0x7f: {  	v8 =	vld [tilespmem:$0x10940];
	v52 =	vmul.u32 $0xC, v55;
	v35 =	vshll.u32 v35, $0x1;
	v26 =	vadd.s32 v39, v26  }
0x80: {  	v31 =	vld [tilespmem:$0x10350];
	v30 =	vadd.s32 v43, v30;
	v32 =	vadd.s32 v47, v32;
	v35 =	vadd.s32 v50, v35  }
0x81: {  	v48 =	vld [tilespmem:$0x10970];
	v38 =	vadd.s32 v53, v49;
	v39 =	vadd.s32 v56, v52;
	v53 =	vmul.u32 $0xC, v59  }
0x82: {  	v43 =	vld [tilespmem:$0x10370];
	v59 =	vmul.u32 $0xC, v13;
	v38 =	vshll.u32 v38, $0x1;
	v39 =	vshll.u32 v39, $0x1  }
0x83: {  	v49 =	vld [tilespmem:$0x10780];
	v35 =	vmul.u32 $0x1E, v35;
	v38 =	vadd.s32 v54, v38;
	v39 =	vadd.s32 v57, v39  }
0x84: {  	v56 =	vld [tilespmem:$0x1FFD0];
	v44 =	vadd.s32 v60, v53;
	v54 =	vmul.u32 $0xC, v62;
	v57 =	vmul.u32 $0xC, v9  }
0x85: {  	v50 =	vld [tilespmem:$0x10390];
	v60 =	vmul.u32 $0xC, v18;
	v35 =	vadd.s32 v51, v35;
	v38 =	vmul.u32 $0x1E, v38  }
0x86: {  	v13 =	vld [tilespmem:$0x103A0];
	v39 =	vmul.u32 $0x1E, v39;
	v55 =	vshll.u32 v44, $0x1;
	v31 =	vmul.u32 $0xC, v31  }
0x87: {  	v9 =	vld [tilespmem:$0x10980];
	v47 =	vadd.s32 v63, v54;
	v5 =	vadd.s32 v12, v57;
	v63 =	vadd.s32 v16, v59  }
0x88: {  	v18 =	vld [tilespmem:$0x10590];
	v16 =	vadd.s32 v24, v60;
	v24 =	vmul.u32 $0xC, v25;
	v6 =	vadd.s32 v6, v38  }
0x89: {  	v44 =	vld [tilespmem:$0x10380];
	v38 =	vadd.s32 v58, v39;
	v39 =	vadd.s32 v61, v55;
	v47 =	vshll.u32 v47, $0x1  }
0x8a: {  	[tilespmem:$0x10] =	vst v11;
	v51 =	vld [tilespmem:$0x109A0];
	v62 =	vshll.u32 v5, $0x1;
	v11 =	vshll.u32 v16, $0x1;
	v16 =	vadd.s32 v33, v31  }
0x8b: {  	[tilespmem:$0xA0] =	vst v32;
	v12 =	vld [tilespmem:$0x10990];
	v32 =	vmul.u32 $0xC, v50;
	v13 =	vmul.u32 $0xC, v13;
	v39 =	vmul.u32 $0x1E, v39  }
0x8c: {  	v54 =	vld [tilespmem:$0x103B0];
	v47 =	vadd.s32 v56, v47;
	v3 =	vadd.s32 v7, v62;
	v7 =	vshll.u32 v63, $0x1  }
0x8d: {  	[tilespmem:$0x0] =	vst v1;
	v57 =	vld [tilespmem:$0x107B0];
	v11 =	vadd.s32 v20, v11;
	v16 =	vshll.u32 v16, $0x1;
	v56 =	vmul.u32 $0xC, v43  }
0x8e: {  	[tilespmem:$0x30] =	vst v17;
	v58 =	vld [tilespmem:$0x1FFE0];
	v47 =	vmul.u32 $0x1E, v47;
	v3 =	vmul.u32 $0x1E, v3;
	v7 =	vadd.s32 v14, v7  }
0x8f: {  	[tilespmem:$0x100] =	vst v0;
	v61 =	vld [tilespmem:$0x1FFF0];
	v25 =	vmul.u32 $0x1E, v11;
	v14 =	vadd.s32 v28, v24;
	v16 =	vadd.s32 v34, v16  }
0x90: {  	v59 =	vld [tilespmem:$0x103C0];
	[tilespmem:$0xD0] =	vst v38;
	v38 =	vadd.s32 v15, v13;
	v7 =	vmul.u32 $0x1E, v7;
	v53 =	vshll.u32 v14, $0x1  }
0x91: {  	[tilespmem:$0x60] =	vst v21;
	v55 =	vld [tilespmem:$0x105B0];
	v16 =	vmul.u32 $0x1E, v16;
	v21 =	vadd.s32 v45, v56;
	v0 =	vshll.u32 v38, $0x1  }
0x92: {  	[tilespmem:$0x40] =	vst v19;
	v5 =	vld [tilespmem:$0x10790];
	v3 =	vadd.s32 v10, v3;
	v52 =	vadd.s32 v23, v25;
	v10 =	vadd.s32 v29, v53  }
0x93: {  	[tilespmem:$0x50] =	vst v27;
	v11 =	vld [tilespmem:$0x107A0];
	v60 =	vshll.u32 v21, $0x1;
	v14 =	vmul.u32 $0xC, v54;
	v39 =	vadd.s32 v58, v39  }
0x94: {  	[tilespmem:$0x70] =	vst v22;
	v31 =	vld [tilespmem:$0x107C0];
	v1 =	vadd.s32 v61, v47;
	v47 =	vmul.u32 $0xC, v37;
	v4 =	vadd.s32 v4, v7  }
0x95: {  	[tilespmem:$0x80] =	vst v26;
	v62 =	vld [tilespmem:$0x105C0];
	v10 =	vmul.u32 $0x1E, v10;
	v61 =	vmul.u32 $0xC, v44;
	v63 =	vadd.s32 v36, v16  }
0x96: {  	v33 =	vld [tilespmem:$0x109C0];
	v36 =	vadd.s32 v18, v32;
	[tilespmem:$0xE0] =	vst v39;
	v39 =	vadd.s32 v55, v14;
	v17 =	vadd.s32 v40, v47  }
0x97: {  	[tilespmem:$0x90] =	vst v30;
	v34 =	vld [tilespmem:$0x103D0];
	v8 =	vadd.s32 v8, v10;
	v10 =	vadd.s32 v46, v60;
	v2 =	vadd.s32 v2, v61  }
0x98: {  	[tilespmem:$0xB0] =	vst v35;
	v43 =	vld [tilespmem:$0x103E0];
	v0 =	vadd.s32 v11, v0;
	v47 =	vmul.u32 $0xC, v59;
	v17 =	vshll.u32 v17, $0x1  }
0x99: {  	[tilespmem:$0xC0] =	vst v6;
	v45 =	vld [tilespmem:$0x103F0];
	v10 =	vmul.u32 $0x1E, v10;
	v2 =	vshll.u32 v2, $0x1;
	v0 =	vmul.u32 $0x1E, v0  }
0x9a: {  	v58 =	vld [tilespmem:$0x109B0];
	[tilespmem:$0x140] =	vst v8;
	v17 =	vadd.s32 v41, v17;
	v2 =	vadd.s32 v49, v2;
	v8 =	vadd.s32 v62, v47  }
0x9b: {  	v37 =	vld [tilespmem:$0x105D0];
	[tilespmem:$0x110] =	vst v3;
	v17 =	vmul.u32 $0x1E, v17;
	v35 =	vadd.s32 v48, v10;
	v10 =	vshll.u32 v36, $0x1  }
0x9c: {  	[tilespmem:$0x130] =	vst v52;
	v46 =	vld [tilespmem:$0x105E0];
	v2 =	vmul.u32 $0x1E, v2;
	v48 =	vmul.u32 $0xC, v34;
	v0 =	vadd.s32 v51, v0  }
0x9d: {  	[tilespmem:$0xF0] =	vst v1;
	v40 =	vld [tilespmem:$0x107D0];
	v52 =	vshll.u32 v8, $0x1;
	v41 =	vadd.s32 v5, v10;
	v10 =	vmul.u32 $0xC, v43  }
0x9e: {  	[tilespmem:$0x120] =	vst v4;
	v49 =	vld [tilespmem:$0x105F0];
	v5 =	vmul.u32 $0xC, v45;
	v1 =	vadd.s32 v31, v52;
	v30 =	vadd.s32 v42, v17  }
0x9f: {  	v50 =	vld [tilespmem:$0x107E0];
	[tilespmem:$0x150] =	vst v63;
	v42 =	vshll.u32 v39, $0x1;
	v3 =	vmul.u32 $0x1E, v41;
	v2 =	vadd.s32 v9, v2  }
0xa0: {  	v51 =	vld [tilespmem:$0x107F0];
	[tilespmem:$0x170] =	vst v35;
	v9 =	vadd.s32 v37, v48;
	v1 =	vmul.u32 $0x1E, v1;
	v44 =	vadd.s32 v57, v42  }
0xa1: {  	v54 =	vld [tilespmem:$0x109D0];
	[tilespmem:$0x1A0] =	vst v0;
	v53 =	vshll.u32 v9, $0x1;
	v7 =	vadd.s32 v46, v10;
	v4 =	vmul.u32 $0x1E, v44  }
0xa2: {  	v56 =	vld [tilespmem:$0x109E0];
	[tilespmem:$0x160] =	vst v30;
	v3 =	vadd.s32 v12, v3;
	v55 =	vadd.s32 v40, v53;
	v57 =	vshll.u32 v7, $0x1  }
0xa3: {  	[tilespmem:$0x180] =	vst v2;
	v5 =	vadd.s32 v49, v5;
	v1 =	vadd.s32 v33, v1;
	v4 =	vadd.s32 v58, v4;
	v58 =	vld [tilespmem:$0x109F0]  }
0xa4: {  	[tilespmem:$0x190] =	vst v3;
	v59 =	vadd.s32 v50, v57;
	v2 =	vmul.u32 $0x1E, v55;
	v60 =	vshll.u32 v5, $0x1  }
0xa5: {  	[tilespmem:$0x1C0] =	vst v1;
	v3 =	vadd.s32 v51, v60;
	v0 =	vmul.u32 $0x1E, v59  }
0xa6: {  	[tilespmem:$0x1B0] =	vst v4;
	v61 =	vadd.s32 v54, v2;
	v62 =	vmul.u32 $0x1E, v3  }
0xa7: {  	[tilespmem:$0x1D0] =	vst v61;
	v0 =	vadd.s32 v56, v0  }
0xa8: {  	[tilespmem:$0x1E0] =	vst v0;
	v63 =	vadd.s32 v58, v62  }
0xa9: {  	[tilespmem:$0x1F0] =	vst v63  }
0xaa: {  	[tilespmem:s15], [sflag:$0x1] =	stream.indirect.gather [hbm4b:s1+s15], $0x80, s3, s15, $0xb8;
	[tilespmem:$0x10A00] =	vst v63  }
0xab: {  	_ =	swait.ge [sflag:s16], $0x10000  }
0xac: {  	p0 =	sne.s32 s9, $0x1;
	[sflag:s16] =	ssyncset.done $0x0  }
.Ltmp0:
0xad: {  	[sflag:s16] =	ssyncadd.s32 $0xFFFF0000;
	(pc) =	sbr.rel @p0 .LBB2_1-.Ltmp0, $4  }
0xae: {  	[hbm4b:s8+s3] =	stream.linear.scatter [tilespmem:s15], [sflag:$0x2], $0x10000, $0x38;
	[tilespmem:$0x10A00] =	vst v63  }
0xaf: {  	_ =	swait.ge [sflag:s11], $0x10000  }
0xb0: {  	[sflag:s11] =	ssyncset.done $0x0  }
0xb1: {  	s9 =	sadd.s32 $0xFFFFFFFF, s9;
	[sflag:s11] =	ssyncadd.s32 $0xFFFF0000  }
0xb2: {  	_ =	sfence.sel $0x180000  }
0xb3: {  	[bflag:$0x0] =	sbarrier.arrive $0xFFFF  }
0xb4: {  	p0 =	sne.s32 s2, $0x0;
	_ =	strace $0x90000047  }
0xb5: {  	s0 =	sadd.s32 @!p0 $0x100000, s0;
	[bflag:$0x2] =	sbarrier.arrive $0xFFFF  }
0xb6: {  	[sflag:s0] =	ssyncadd.tile.s32 @!p0 $0x1;
	_ =	shalt  }
.Lfunc_end2:
_tile_overlayer_lowered:
.L_overlay_start_2:
0xb7: {  	(tag) =	ssettag $0x2  }
0xb8: {  	s0 =	rddreg [dreg:$0x0];
	s2 =	stileid.u32  }
0xb9: {  	s1 =	rddreg [dreg:$0x1];
	p0 =	sne.s32 s2, $0x0  }
0xba: {  	s3 =	rddreg [dreg:$0x2];
	[bflag:$0x3] =	sbarrier.arrive $0xFFFF;
	s2 =	simm.s32 @!p0 $0x1C02  }
0xbb: {  	[timem:s3], [sflag:s2] =	dma.local @!p0 [hbm:s0], s1  }
0xbc: {  	s0 =	simm.s32 @!p0 $0x2  }
0xbd: {  	_ =	swait.ge @!p0 [sflag:s0], s1  }
0xbe: {  	s1 =	ssub.s32 @!p0 $0x0, s1;
	[sflag:s0] =	ssyncset.done @!p0 $0x0  }
0xbf: {  	[sflag:s0] =	ssyncadd.s32 @!p0 s1  }
0xc0: {  	[bflag:$0x3] =	sbarrier.arrive $0xFFFF  }
0xc1: {  	_ =	shalt  }

</sc_bundles>
